<compile_context>
chip_gen: v7x
topology: tpu7x:2x2x1
jax: 0.10.2.dev20260603
libtpu: 0.0.44.dev20260713+nightly
codegen_flags: <defaults>
</compile_context>

<pallas_src>
import functools

import jax
import jax.numpy as jnp
from jax import lax
from jax.experimental import pallas as pl
from jax.experimental.pallas import tpu as pltpu
from jax.experimental.pallas import tpu_sc as plsc

B = 2
S = 2048
D = 1024
H = 16
DH = D // H
POOL = 512
TOPK = 128
NSEL = 5 * TOPK
ROWS = B * NSEL

_NC, _NS = 2, 16
_NW = _NC * _NS
_RPW = ROWS // _NW

F32 = jnp.float32
BF16 = jnp.bfloat16


def _sc_gather_body(table_hbm, idx_hbm, out_hbm, idx_v, rows_v, sem):
    wid = lax.axis_index("s") * _NC + lax.axis_index("c")
    base = wid * _RPW
    pltpu.sync_copy(idx_hbm.at[pl.ds(base, _RPW)], idx_v)
    pltpu.async_copy(table_hbm.at[idx_v], rows_v, sem).wait()
    pltpu.sync_copy(rows_v, out_hbm.at[pl.ds(base, _RPW)])


def _gather_rows(table, idx_flat):
    mesh = plsc.VectorSubcoreMesh(core_axis_name="c", subcore_axis_name="s")
    fn = functools.partial(
        pl.kernel,
        mesh=mesh,
        out_type=jax.ShapeDtypeStruct((ROWS, D), F32),
        scratch_types=[
            pltpu.VMEM((_RPW,), jnp.int32),
            pltpu.VMEM((_RPW, D), F32),
            pltpu.SemaphoreType.DMA,
        ],
    )(_sc_gather_body)
    return fn(table, idx_flat)


_QKV_BLK = 256
_Q_PRESCALE = 0.125 * 1.4426950408889634


def _qkv_body(x_ref, g_ref, sqk_ref, sv_ref, sq_ref, sk_ref, sv2_ref,
              q_ref, k_ref, v_ref):
    x = x_ref[0].astype(BF16)
    g = g_ref[0]
    a_down = g[0:TOPK]
    b_down = g[TOPK:2 * TOPK]
    rq = g[2 * TOPK:3 * TOPK]
    rk = g[3 * TOPK:4 * TOPK]
    rv = g[4 * TOPK:5 * TOPK]
    dn = (((1,), (1,)), ((), ()))
    up = (((1,), (0,)), ((), ()))
    h_qk = lax.dot_general(x, a_down, dn, preferred_element_type=F32)
    h_v = lax.dot_general(x, b_down, dn, preferred_element_type=F32)
    sqk = sqk_ref[0]
    hq = (h_qk * (sqk * sq_ref[0])).astype(BF16)
    hk = (h_qk * (sqk * sk_ref[0])).astype(BF16)
    hv = (h_v * (sv_ref[0] * sv2_ref[0])).astype(BF16)
    q_ref[0] = (lax.dot_general(hq, rq, up, preferred_element_type=F32)
                * _Q_PRESCALE).astype(BF16)
    k_ref[0] = lax.dot_general(hk, rk, up, preferred_element_type=F32
                               ).astype(BF16)
    v_ref[0] = lax.dot_general(hv, rv, up, preferred_element_type=F32
                               ).astype(BF16)


def _qkv_call(x, g, s_qk, s_v, s_q, s_k, s_v2):
    grid = (B, S // _QKV_BLK)
    soft_spec = pl.BlockSpec((1, 1, TOPK), lambda b, s: (b, 0, 0))
    out_spec = pl.BlockSpec((1, _QKV_BLK, D), lambda b, s: (b, s, 0))
    return pl.pallas_call(
        _qkv_body,
        grid=grid,
        in_specs=[
            pl.BlockSpec((1, _QKV_BLK, D), lambda b, s: (b, s, 0)),
            pl.BlockSpec((1, NSEL, D), lambda b, s: (b, 0, 0)),

            soft_spec, soft_spec, soft_spec, soft_spec, soft_spec,
        ],
        out_specs=[out_spec, out_spec, out_spec],
        out_shape=[jax.ShapeDtypeStruct((B, S, D), BF16)] * 3,
        compiler_params=pltpu.CompilerParams(
            dimension_semantics=("parallel", "parallel")),
    )(x, g, s_qk, s_v, s_q, s_k, s_v2)


_BQ = 512
_SM_SCALE = 1.0 / (DH ** 0.5)


def _flash_body(q_ref, k_ref, v_ref, o_ref):
    qi = pl.program_id(2)
    q = q_ref[0]
    q1 = q[:, :DH]
    q2 = q[:, DH:]
    neg = jnp.float32(-1e30)
    ones_col = jnp.ones((_BQ, 1), BF16)
    pv_dn = (((1,), (0,)), ((), ()))

    def one_head(s, vc, mask, m, l, acc):
        if mask is not None:
            s = jnp.where(mask, s, neg)
        m_new = jnp.maximum(m, jnp.max(s, axis=1, keepdims=True))
        p = jnp.exp2(s - m_new).astype(BF16)
        alpha = jnp.exp2(m - m_new)
        vc_aug = jnp.concatenate([vc, ones_col], axis=1)
        av = lax.dot_general(p, vc_aug, pv_dn, preferred_element_type=F32)
        l_new = l * alpha + av[:, DH:DH + 1]
        acc_new = acc * alpha + av[:, :DH]
        return m_new, l_new, acc_new

    def chunk(c, carry, mask):
        m1, l1, a1, m2, l2, a2 = carry
        kc = k_ref[0, pl.ds(c * _BQ, _BQ), :]
        vc = v_ref[0, pl.ds(c * _BQ, _BQ), :]
        sdn = (((1,), (1,)), ((), ()))
        s1 = lax.dot_general(q1, kc[:, :DH], sdn, preferred_element_type=F32)
        s2 = lax.dot_general(q2, kc[:, DH:], sdn, preferred_element_type=F32)
        m1, l1, a1 = one_head(s1, vc[:, :DH], mask, m1, l1, a1)
        m2, l2, a2 = one_head(s2, vc[:, DH:], mask, m2, l2, a2)
        return m1, l1, a1, m2, l2, a2

    minit = jnp.full((_BQ, 1), -jnp.inf, F32)
    linit = jnp.zeros((_BQ, 1), F32)
    ainit = jnp.zeros((_BQ, DH), F32)
    carry = lax.fori_loop(0, qi, lambda c, cr: chunk(c, cr, None),
                          (minit, linit, ainit, minit, linit, ainit))
    rows = lax.broadcasted_iota(jnp.int32, (_BQ, _BQ), 0)
    cols = lax.broadcasted_iota(jnp.int32, (_BQ, _BQ), 1)
    m1, l1, a1, m2, l2, a2 = chunk(qi, carry, cols <= rows)
    o_ref[0] = jnp.concatenate([a1 / l1, a2 / l2], axis=1).astype(BF16)


def _flash_call(q, k, v):
    grid = (B, H // 2, S // _BQ)
    kv_spec = pl.BlockSpec((1, S, 2 * DH), lambda b, hp, s: (b, 0, hp))
    q_spec = pl.BlockSpec((1, _BQ, 2 * DH), lambda b, hp, s: (b, s, hp))
    return pl.pallas_call(
        _flash_body,
        grid=grid,
        in_specs=[q_spec, kv_spec, kv_spec],
        out_specs=q_spec,
        out_shape=jax.ShapeDtypeStruct((B, S, D), BF16),
        compiler_params=pltpu.CompilerParams(
            dimension_semantics=("parallel", "parallel", "arbitrary")),
    )(q, k, v)


_PROJ_BLK = 512


def _proj_body(a_ref, w_ref, o_ref):
    o_ref[0] = lax.dot_general(a_ref[0], w_ref[...],
                               (((1,), (1,)), ((), ())),
                               preferred_element_type=F32)


def _proj_call(a, w):
    grid = (B, S // _PROJ_BLK)
    return pl.pallas_call(
        _proj_body,
        grid=grid,
        in_specs=[
            pl.BlockSpec((1, _PROJ_BLK, D), lambda b, s: (b, s, 0)),
            pl.BlockSpec((D, D), lambda b, s: (0, 0)),
        ],
        out_specs=pl.BlockSpec((1, _PROJ_BLK, D), lambda b, s: (b, s, 0)),
        out_shape=jax.ShapeDtypeStruct((B, S, D), F32),
        compiler_params=pltpu.CompilerParams(
            dimension_semantics=("parallel", "parallel")),
    )(a, w)


def kernel(x, idx_qk, idx_v, idx_q, idx_k, idx_v2,
           soft_qk, soft_v, soft_q, soft_k, soft_v2,
           feature_qk_neurons, feature_v_neurons, relational_neurons,
           value_neurons, W_O):
    table = jnp.concatenate(
        [feature_qk_neurons, feature_v_neurons, relational_neurons,
         value_neurons], axis=0)
    idx_all = jnp.concatenate(
        [idx_qk, idx_v + POOL, idx_q + 2 * POOL, idx_k + 2 * POOL,
         idx_v2 + 3 * POOL], axis=1).astype(jnp.int32)
    g = _gather_rows(table, idx_all.reshape(ROWS))
    g = g.reshape(B, NSEL, D).astype(BF16)
    q, k, v = _qkv_call(
        x, g,
        soft_qk.reshape(B, 1, TOPK), soft_v.reshape(B, 1, TOPK),
        soft_q.reshape(B, 1, TOPK), soft_k.reshape(B, 1, TOPK),
        soft_v2.reshape(B, 1, TOPK))
    attn = _flash_call(q, k, v)
    return _proj_call(attn, W_O.astype(BF16))

# --- scband reference (transcript-rebuilt; emitter-appended) ---
"""Pipeline reference for scband-neuron-circuit-31035433681147 (READ-ONLY COPY).

The authoritative reference and input builder live on the scoring server;
editing this copy changes nothing except your own understanding.
"""

import jax, jax.numpy as jnp
import numpy as np

B = 2
S = 2048
D_MODEL = 1024
N_HEADS = 16
POOL = 512
TOPK = 128


def setup_inputs(seed: int = 0) -> dict:
    key = jax.random.key(seed)
    ks = jax.random.split(key, 16)
    x = jax.random.normal(ks[0], (B, S, D_MODEL), dtype=jnp.float32)
    idx_qk = jax.random.randint(ks[1], (B, TOPK), 0, POOL)
    idx_v = jax.random.randint(ks[2], (B, TOPK), 0, POOL)
    idx_q = jax.random.randint(ks[3], (B, TOPK), 0, POOL)
    idx_k = jax.random.randint(ks[4], (B, TOPK), 0, POOL)
    idx_v2 = jax.random.randint(ks[5], (B, TOPK), 0, POOL)
    soft_qk = jax.random.uniform(ks[6], (B, TOPK), dtype=jnp.float32)
    soft_v = jax.random.uniform(ks[7], (B, TOPK), dtype=jnp.float32)
    soft_q = jax.random.uniform(ks[8], (B, TOPK), dtype=jnp.float32)
    soft_k = jax.random.uniform(ks[9], (B, TOPK), dtype=jnp.float32)
    soft_v2 = jax.random.uniform(ks[10], (B, TOPK), dtype=jnp.float32)
    feature_qk_neurons = jax.random.normal(ks[11], (POOL, D_MODEL), dtype=jnp.float32) * 0.02
    feature_v_neurons = jax.random.normal(ks[12], (POOL, D_MODEL), dtype=jnp.float32) * 0.02
    relational_neurons = jax.random.normal(ks[13], (POOL, D_MODEL), dtype=jnp.float32) * 0.02
    value_neurons = jax.random.normal(ks[14], (POOL, D_MODEL), dtype=jnp.float32) * 0.02
    W_O = jax.random.normal(ks[15], (D_MODEL, D_MODEL), dtype=jnp.float32) * (1.0 / np.sqrt(D_MODEL))
    return {
        "x": x,
        "idx_qk": idx_qk, "idx_v": idx_v, "idx_q": idx_q, "idx_k": idx_k, "idx_v2": idx_v2,
        "soft_qk": soft_qk, "soft_v": soft_v, "soft_q": soft_q, "soft_k": soft_k, "soft_v2": soft_v2,
        "feature_qk_neurons": feature_qk_neurons,
        "feature_v_neurons": feature_v_neurons,
        "relational_neurons": relational_neurons,
        "value_neurons": value_neurons,
        "W_O": W_O,
    }


def _causal_attention(Q, K, V):
    d_head = D_MODEL // N_HEADS
    Qh = Q.reshape(B, S, N_HEADS, d_head).transpose(0, 2, 1, 3)
    Kh = K.reshape(B, S, N_HEADS, d_head).transpose(0, 2, 1, 3)
    Vh = V.reshape(B, S, N_HEADS, d_head).transpose(0, 2, 1, 3)
    scores = jnp.einsum('bhqd,bhkd->bhqk', Qh, Kh) / np.sqrt(d_head)
    mask = jnp.triu(jnp.ones((S, S), dtype=bool), k=1)
    scores = jnp.where(mask[None, None, :, :], jnp.float32(-1e30), scores)
    attn = jax.nn.softmax(scores, axis=-1)
    out = jnp.einsum('bhqk,bhkd->bhqd', attn, Vh)
    return out.transpose(0, 2, 1, 3).reshape(B, S, D_MODEL)


def reference(x, idx_qk, idx_v, idx_q, idx_k, idx_v2,
              soft_qk, soft_v, soft_q, soft_k, soft_v2,
              feature_qk_neurons, feature_v_neurons, relational_neurons, value_neurons, W_O):
    # Compression: gather selected neuron vectors, project x down
    selected_qk = feature_qk_neurons[idx_qk]            # [B, TOPK, D]
    h_qk = jnp.einsum('bsd,bkd->bsk', x, selected_qk)   # [B, S, TOPK]
    h_qk = h_qk * soft_qk[:, None, :]
    selected_v = feature_v_neurons[idx_v]
    h_v = jnp.einsum('bsd,bkd->bsk', x, selected_v)
    h_v = h_v * soft_v[:, None, :]
    # Expansion via shared relational / value neurons
    selected_rel_q = relational_neurons[idx_q]
    Q = jnp.einsum('bsr,brd->bsd', h_qk * soft_q[:, None, :], selected_rel_q)
    selected_rel_k = relational_neurons[idx_k]
    K = jnp.einsum('bsr,brd->bsd', h_qk * soft_k[:, None, :], selected_rel_k)
    selected_val = value_neurons[idx_v2]
    V = jnp.einsum('bsr,brd->bsd', h_v * soft_v2[:, None, :], selected_val)
    attn_out = _causal_attention(Q, K, V)
    output = attn_out @ W_O.T
    return output

if __name__ == "__main__":
    import jax
    _d = setup_inputs()
    print(jax.jit(kernel)(*tuple(_d.values())))

</pallas_src>

<mosaic_0001>
#map = affine_map<(d0, d1) -> (0, 0)>
#map1 = affine_map<(d0, d1) -> (0)>
module attributes {stable_mosaic.version = 14 : i64} {
  func.func @_sc_gather_body(%arg0: i32, %arg1: i32, %arg2: memref<2048x1024xf32, #tpu.memory_space<hbm>>, %arg3: memref<1280xi32, #tpu.memory_space<hbm>>, %arg4: memref<1280x1024xf32, #tpu.memory_space<hbm>>, %arg5: memref<40xi32, #tpu.memory_space<vmem>>, %arg6: memref<40x1024xf32, #tpu.memory_space<vmem>>, %arg7: memref<!tpu.dma_semaphore, #tpu.memory_space<semaphore_mem>>) attributes {dimension_semantics = [#tpu.dimension_semantics<core_parallel>, #tpu.dimension_semantics<subcore_parallel>], iteration_bounds = array<i64: 2, 16>, scalar_prefetch = 0 : i64, scratch_operands = 3 : i64, tpu.core_type = #tpu.core_type<sc_vector_subcore>, window_params = [{transform_indices = #map}, {transform_indices = #map1}, {transform_indices = #map}]} {
    %mul3A = arith.constant 2 : i32
    %mul3A_0 = arith.muli %arg1, %mul3A : i32
    %add3A = arith.addi %mul3A_0, %arg0 : i32
    %mul3A_1 = arith.constant 40 : i32
    %mul3A_2 = arith.muli %add3A, %mul3A_1 : i32
    "tpu.region"() ({
      %run_scoped3A = tpu.sem_alloc : memref<!tpu.dma_semaphore, #tpu.memory_space<semaphore_mem>>
      %dma_start3A_7 = tpu.memref_slice %arg3[%mul3A_2] : memref<1280xi32, #tpu.memory_space<hbm>> -> memref<40xi32, #tpu.memory_space<hbm>>
      %dma_start3A_8 = tpu.memref_slice %arg3[%mul3A_2] : memref<1280xi32, #tpu.memory_space<hbm>> -> memref<40xi32, #tpu.memory_space<hbm>>
      tpu.enqueue_dma source(%dma_start3A_8 : memref<40xi32, #tpu.memory_space<hbm>>) target(%arg5 : memref<40xi32, #tpu.memory_space<vmem>>) target_semaphore(%run_scoped3A : memref<!tpu.dma_semaphore, #tpu.memory_space<semaphore_mem>>)
      %dma_wait3A_9 = tpu.memref_slice %arg3[%mul3A_2] : memref<1280xi32, #tpu.memory_space<hbm>> -> memref<40xi32, #tpu.memory_space<hbm>>
      %dma_wait3A_10 = tpu.memref_slice %arg3[%mul3A_2] : memref<1280xi32, #tpu.memory_space<hbm>> -> memref<40xi32, #tpu.memory_space<hbm>>
      tpu.wait_dma2 semaphore(%run_scoped3A : memref<!tpu.dma_semaphore, #tpu.memory_space<semaphore_mem>>) src(%dma_wait3A_10 : memref<40xi32, #tpu.memory_space<hbm>>) dst(%arg5 : memref<40xi32, #tpu.memory_space<vmem>>)
      tpu.yield
    }) : () -> ()
    %dma_start3A = arith.constant 0 : i32
    %dma_start3A_3 = arith.constant 0 : i32
    %dma_start3A_4 = tpu.memref_slice %arg2[%dma_start3A, %dma_start3A_3] : memref<2048x1024xf32, #tpu.memory_space<hbm>> -> memref<2048x1024xf32, #tpu.memory_space<hbm>>
    tpu.enqueue_indirect_dma source(%dma_start3A_4 : memref<2048x1024xf32, #tpu.memory_space<hbm>>) target(%arg6 : memref<40x1024xf32, #tpu.memory_space<vmem>>) offsets(%arg5 : memref<40xi32, #tpu.memory_space<vmem>>) semaphore(%arg7 : memref<!tpu.dma_semaphore, #tpu.memory_space<semaphore_mem>>)
    %dma_wait3A = arith.constant 0 : i32
    %dma_wait3A_5 = arith.constant 0 : i32
    %dma_wait3A_6 = tpu.memref_slice %arg2[%dma_wait3A, %dma_wait3A_5] : memref<2048x1024xf32, #tpu.memory_space<hbm>> -> memref<2048x1024xf32, #tpu.memory_space<hbm>>
    tpu.wait_indirect_dma semaphore(%arg7 : memref<!tpu.dma_semaphore, #tpu.memory_space<semaphore_mem>>) src(%dma_wait3A_6 : memref<2048x1024xf32, #tpu.memory_space<hbm>>) dst(%arg6 : memref<40x1024xf32, #tpu.memory_space<vmem>>)
    "tpu.region"() ({
      %run_scoped3A = tpu.sem_alloc : memref<!tpu.dma_semaphore, #tpu.memory_space<semaphore_mem>>
      %dma_start3A_7 = arith.constant 0 : i32
      %dma_start3A_8 = tpu.memref_slice %arg4[%mul3A_2, %dma_start3A_7] : memref<1280x1024xf32, #tpu.memory_space<hbm>> -> memref<40x1024xf32, #tpu.memory_space<hbm>>
      %dma_start3A_9 = arith.constant 0 : i32
      %dma_start3A_10 = tpu.memref_slice %arg4[%mul3A_2, %dma_start3A_9] : memref<1280x1024xf32, #tpu.memory_space<hbm>> -> memref<40x1024xf32, #tpu.memory_space<hbm>>
      tpu.enqueue_dma source(%arg6 : memref<40x1024xf32, #tpu.memory_space<vmem>>) target(%dma_start3A_10 : memref<40x1024xf32, #tpu.memory_space<hbm>>) target_semaphore(%run_scoped3A : memref<!tpu.dma_semaphore, #tpu.memory_space<semaphore_mem>>)
      %dma_wait3A_11 = arith.constant 0 : i32
      %dma_wait3A_12 = tpu.memref_slice %arg4[%mul3A_2, %dma_wait3A_11] : memref<1280x1024xf32, #tpu.memory_space<hbm>> -> memref<40x1024xf32, #tpu.memory_space<hbm>>
      %dma_wait3A_13 = arith.constant 0 : i32
      %dma_wait3A_14 = tpu.memref_slice %arg4[%mul3A_2, %dma_wait3A_13] : memref<1280x1024xf32, #tpu.memory_space<hbm>> -> memref<40x1024xf32, #tpu.memory_space<hbm>>
      tpu.wait_dma2 semaphore(%run_scoped3A : memref<!tpu.dma_semaphore, #tpu.memory_space<semaphore_mem>>) src(%arg6 : memref<40x1024xf32, #tpu.memory_space<vmem>>) dst(%dma_wait3A_14 : memref<40x1024xf32, #tpu.memory_space<hbm>>)
      tpu.yield
    }) : () -> ()
    return
  }
}

module attributes {stable_mosaic.version = 14 : i64} {
  func.func @_qkv_body(%arg0: i32, %arg1: i32, %arg2: memref<1x256x1024xf32, #tpu.memory_space<vmem>>, %arg3: memref<1x640x1024xbf16, #tpu.memory_space<vmem>>, %arg4: memref<1x1x128xf32, #tpu.memory_space<vmem>>, %arg5: memref<1x1x128xf32, #tpu.memory_space<vmem>>, %arg6: memref<1x1x128xf32, #tpu.memory_space<vmem>>, %arg7: memref<1x1x128xf32, #tpu.memory_space<vmem>>, %arg8: memref<1x1x128xf32, #tpu.memory_space<vmem>>, %arg9: memref<1x256x1024xbf16, #tpu.memory_space<vmem>>, %arg10: memref<1x256x1024xbf16, #tpu.memory_space<vmem>>, %arg11: memref<1x256x1024xbf16, #tpu.memory_space<vmem>>) attributes {dimension_semantics = [#tpu.dimension_semantics<parallel>, #tpu.dimension_semantics<parallel>], iteration_bounds = array<i64: 2, 8>, scalar_prefetch = 0 : i64, scratch_operands = 0 : i64, tpu.core_type = #tpu.core_type<tc>, window_params = [{transform_indices = @transform_0, window_bounds = array<i64: 1, 256, 1024>}, {transform_indices = @transform_1, window_bounds = array<i64: 1, 640, 1024>}, {transform_indices = @transform_2, window_bounds = array<i64: 1, 1, 128>}, {transform_indices = @transform_3, window_bounds = array<i64: 1, 1, 128>}, {transform_indices = @transform_4, window_bounds = array<i64: 1, 1, 128>}, {transform_indices = @transform_5, window_bounds = array<i64: 1, 1, 128>}, {transform_indices = @transform_6, window_bounds = array<i64: 1, 1, 128>}, {transform_indices = @transform_7, window_bounds = array<i64: 1, 256, 1024>}, {transform_indices = @transform_8, window_bounds = array<i64: 1, 256, 1024>}, {transform_indices = @transform_9, window_bounds = array<i64: 1, 256, 1024>}]} {
    %get3A = arith.constant 0 : index
    %get3A_0 = arith.constant 0 : index
    %get3A_1 = arith.constant 0 : index
    %get3A_2 = vector.load %arg2[%get3A, %get3A_0, %get3A_1] : memref<1x256x1024xf32, #tpu.memory_space<vmem>>, vector<1x256x1024xf32>
    %get3A_3 = vector.shape_cast %get3A_2 : vector<1x256x1024xf32> to vector<256x1024xf32>
    %convert_element_type3A = arith.truncf %get3A_3 : vector<256x1024xf32> to vector<256x1024xbf16>
    %get3A_4 = arith.constant 0 : index
    %get3A_5 = arith.constant 0 : index
    %get3A_6 = arith.constant 0 : index
    %get3A_7 = vector.load %arg3[%get3A_4, %get3A_5, %get3A_6] : memref<1x640x1024xbf16, #tpu.memory_space<vmem>>, vector<1x640x1024xbf16>
    %get3A_8 = vector.shape_cast %get3A_7 : vector<1x640x1024xbf16> to vector<640x1024xbf16>
    %slice3A = vector.extract_strided_slice %get3A_8 {offsets = [0, 0], sizes = [128, 1024], strides = [1, 1]} : vector<640x1024xbf16> to vector<128x1024xbf16>
    %slice3A_9 = vector.extract_strided_slice %get3A_8 {offsets = [128, 0], sizes = [128, 1024], strides = [1, 1]} : vector<640x1024xbf16> to vector<128x1024xbf16>
    %slice3A_10 = vector.extract_strided_slice %get3A_8 {offsets = [256, 0], sizes = [128, 1024], strides = [1, 1]} : vector<640x1024xbf16> to vector<128x1024xbf16>
    %slice3A_11 = vector.extract_strided_slice %get3A_8 {offsets = [384, 0], sizes = [128, 1024], strides = [1, 1]} : vector<640x1024xbf16> to vector<128x1024xbf16>
    %slice3A_12 = vector.extract_strided_slice %get3A_8 {offsets = [512, 0], sizes = [128, 1024], strides = [1, 1]} : vector<640x1024xbf16> to vector<128x1024xbf16>
    %dot_general3A = arith.constant dense<0.000000e+00> : vector<256x128xf32>
    %dot_general3A_13 = tpu.matmul %convert_element_type3A, %slice3A, %dot_general3A {dimension_numbers = #tpu.dot_dimension_numbers<[1], [1], [0], [0], [0, 0, 1, 0], [], []>, transpose_lhs_hint = false} : vector<256x1024xbf16>, vector<128x1024xbf16>, vector<256x128xf32> -> vector<256x128xf32>
    %dot_general3A_14 = arith.constant dense<0.000000e+00> : vector<256x128xf32>
    %dot_general3A_15 = tpu.matmul %convert_element_type3A, %slice3A_9, %dot_general3A_14 {dimension_numbers = #tpu.dot_dimension_numbers<[1], [1], [0], [0], [0, 0, 1, 0], [], []>, transpose_lhs_hint = false} : vector<256x1024xbf16>, vector<128x1024xbf16>, vector<256x128xf32> -> vector<256x128xf32>
    %get3A_16 = arith.constant 0 : index
    %get3A_17 = arith.constant 0 : index
    %get3A_18 = arith.constant 0 : index
    %get3A_19 = vector.load %arg4[%get3A_16, %get3A_17, %get3A_18] : memref<1x1x128xf32, #tpu.memory_space<vmem>>, vector<1x1x128xf32>
    %get3A_20 = vector.shape_cast %get3A_19 : vector<1x1x128xf32> to vector<1x128xf32>
    %get3A_21 = arith.constant 0 : index
    %get3A_22 = arith.constant 0 : index
    %get3A_23 = arith.constant 0 : index
    %get3A_24 = vector.load %arg6[%get3A_21, %get3A_22, %get3A_23] : memref<1x1x128xf32, #tpu.memory_space<vmem>>, vector<1x1x128xf32>
    %get3A_25 = vector.shape_cast %get3A_24 : vector<1x1x128xf32> to vector<1x128xf32>
    %mul3A = arith.mulf %get3A_20, %get3A_25 : vector<1x128xf32>
    %mul3A_26 = vector.broadcast %mul3A : vector<1x128xf32> to vector<256x128xf32>
    %mul3A_27 = arith.mulf %dot_general3A_13, %mul3A_26 : vector<256x128xf32>
    %convert_element_type3A_28 = arith.truncf %mul3A_27 : vector<256x128xf32> to vector<256x128xbf16>
    %get3A_29 = arith.constant 0 : index
    %get3A_30 = arith.constant 0 : index
    %get3A_31 = arith.constant 0 : index
    %get3A_32 = vector.load %arg7[%get3A_29, %get3A_30, %get3A_31] : memref<1x1x128xf32, #tpu.memory_space<vmem>>, vector<1x1x128xf32>
    %get3A_33 = vector.shape_cast %get3A_32 : vector<1x1x128xf32> to vector<1x128xf32>
    %mul3A_34 = arith.mulf %get3A_20, %get3A_33 : vector<1x128xf32>
    %mul3A_35 = vector.broadcast %mul3A_34 : vector<1x128xf32> to vector<256x128xf32>
    %mul3A_36 = arith.mulf %dot_general3A_13, %mul3A_35 : vector<256x128xf32>
    %convert_element_type3A_37 = arith.truncf %mul3A_36 : vector<256x128xf32> to vector<256x128xbf16>
    %get3A_38 = arith.constant 0 : index
    %get3A_39 = arith.constant 0 : index
    %get3A_40 = arith.constant 0 : index
    %get3A_41 = vector.load %arg5[%get3A_38, %get3A_39, %get3A_40] : memref<1x1x128xf32, #tpu.memory_space<vmem>>, vector<1x1x128xf32>
    %get3A_42 = vector.shape_cast %get3A_41 : vector<1x1x128xf32> to vector<1x128xf32>
    %get3A_43 = arith.constant 0 : index
    %get3A_44 = arith.constant 0 : index
    %get3A_45 = arith.constant 0 : index
    %get3A_46 = vector.load %arg8[%get3A_43, %get3A_44, %get3A_45] : memref<1x1x128xf32, #tpu.memory_space<vmem>>, vector<1x1x128xf32>
    %get3A_47 = vector.shape_cast %get3A_46 : vector<1x1x128xf32> to vector<1x128xf32>
    %mul3A_48 = arith.mulf %get3A_42, %get3A_47 : vector<1x128xf32>
    %mul3A_49 = vector.broadcast %mul3A_48 : vector<1x128xf32> to vector<256x128xf32>
    %mul3A_50 = arith.mulf %dot_general3A_15, %mul3A_49 : vector<256x128xf32>
    %convert_element_type3A_51 = arith.truncf %mul3A_50 : vector<256x128xf32> to vector<256x128xbf16>
    %dot_general3A_52 = arith.constant dense<0.000000e+00> : vector<256x1024xf32>
    %dot_general3A_53 = tpu.matmul %convert_element_type3A_28, %slice3A_10, %dot_general3A_52 {dimension_numbers = #tpu.dot_dimension_numbers<[1], [0], [0], [1], [0, 0, 1, 1], [], []>, transpose_lhs_hint = false} : vector<256x128xbf16>, vector<128x1024xbf16>, vector<256x1024xf32> -> vector<256x1024xf32>
    %mul3A_54 = arith.constant 0.180336878 : f32
    %mul3A_55 = vector.broadcast %mul3A_54 : f32 to vector<256x1024xf32>
    %mul3A_56 = arith.mulf %dot_general3A_53, %mul3A_55 : vector<256x1024xf32>
    %convert_element_type3A_57 = arith.truncf %mul3A_56 : vector<256x1024xf32> to vector<256x1024xbf16>
    %swap3A = arith.constant 0 : index
    %swap3A_58 = arith.constant 0 : index
    %swap3A_59 = arith.constant 0 : index
    %swap3A_60 = vector.load %arg9[%swap3A, %swap3A_58, %swap3A_59] : memref<1x256x1024xbf16, #tpu.memory_space<vmem>>, vector<1x256x1024xbf16>
    %swap3A_61 = vector.shape_cast %swap3A_60 : vector<1x256x1024xbf16> to vector<256x1024xbf16>
    %swap3A_62 = vector.shape_cast %convert_element_type3A_57 : vector<256x1024xbf16> to vector<1x256x1024xbf16>
    tpu.vector_store %arg9[%swap3A, %swap3A_58, %swap3A_59], %swap3A_62 {strides = array<i32>} : memref<1x256x1024xbf16, #tpu.memory_space<vmem>>, vector<1x256x1024xbf16>,
    %dot_general3A_63 = arith.constant dense<0.000000e+00> : vector<256x1024xf32>
    %dot_general3A_64 = tpu.matmul %convert_element_type3A_37, %slice3A_11, %dot_general3A_63 {dimension_numbers = #tpu.dot_dimension_numbers<[1], [0], [0], [1], [0, 0, 1, 1], [], []>, transpose_lhs_hint = false} : vector<256x128xbf16>, vector<128x1024xbf16>, vector<256x1024xf32> -> vector<256x1024xf32>
    %convert_element_type3A_65 = arith.truncf %dot_general3A_64 : vector<256x1024xf32> to vector<256x1024xbf16>
    %swap3A_66 = arith.constant 0 : index
    %swap3A_67 = arith.constant 0 : index
    %swap3A_68 = arith.constant 0 : index
    %swap3A_69 = vector.load %arg10[%swap3A_66, %swap3A_67, %swap3A_68] : memref<1x256x1024xbf16, #tpu.memory_space<vmem>>, vector<1x256x1024xbf16>
    %swap3A_70 = vector.shape_cast %swap3A_69 : vector<1x256x1024xbf16> to vector<256x1024xbf16>
    %swap3A_71 = vector.shape_cast %convert_element_type3A_65 : vector<256x1024xbf16> to vector<1x256x1024xbf16>
    tpu.vector_store %arg10[%swap3A_66, %swap3A_67, %swap3A_68], %swap3A_71 {strides = array<i32>} : memref<1x256x1024xbf16, #tpu.memory_space<vmem>>, vector<1x256x1024xbf16>,
    %dot_general3A_72 = arith.constant dense<0.000000e+00> : vector<256x1024xf32>
    %dot_general3A_73 = tpu.matmul %convert_element_type3A_51, %slice3A_12, %dot_general3A_72 {dimension_numbers = #tpu.dot_dimension_numbers<[1], [0], [0], [1], [0, 0, 1, 1], [], []>, transpose_lhs_hint = false} : vector<256x128xbf16>, vector<128x1024xbf16>, vector<256x1024xf32> -> vector<256x1024xf32>
    %convert_element_type3A_74 = arith.truncf %dot_general3A_73 : vector<256x1024xf32> to vector<256x1024xbf16>
    %swap3A_75 = arith.constant 0 : index
    %swap3A_76 = arith.constant 0 : index
    %swap3A_77 = arith.constant 0 : index
    %swap3A_78 = vector.load %arg11[%swap3A_75, %swap3A_76, %swap3A_77] : memref<1x256x1024xbf16, #tpu.memory_space<vmem>>, vector<1x256x1024xbf16>
    %swap3A_79 = vector.shape_cast %swap3A_78 : vector<1x256x1024xbf16> to vector<256x1024xbf16>
    %swap3A_80 = vector.shape_cast %convert_element_type3A_74 : vector<256x1024xbf16> to vector<1x256x1024xbf16>
    tpu.vector_store %arg11[%swap3A_75, %swap3A_76, %swap3A_77], %swap3A_80 {strides = array<i32>} : memref<1x256x1024xbf16, #tpu.memory_space<vmem>>, vector<1x256x1024xbf16>,
    return
  }
  func.func @transform_0(%arg0: i32, %arg1: i32) -> (i32, i32, i32) {
    %c0_i32 = arith.constant 0 : i32
    %c0_i32_0 = arith.constant 0 : i32
    return %arg0, %arg1, %c0_i32 : i32, i32, i32
  }
  func.func @transform_1(%arg0: i32, %arg1: i32) -> (i32, i32, i32) {
    %c0_i32 = arith.constant 0 : i32
    %c0_i32_0 = arith.constant 0 : i32
    %c0_i32_1 = arith.constant 0 : i32
    return %arg0, %c0_i32, %c0_i32_0 : i32, i32, i32
  }
  func.func @transform_2(%arg0: i32, %arg1: i32) -> (i32, i32, i32) {
    %c0_i32 = arith.constant 0 : i32
    %c0_i32_0 = arith.constant 0 : i32
    %c0_i32_1 = arith.constant 0 : i32
    return %arg0, %c0_i32, %c0_i32_0 : i32, i32, i32
  }
  func.func @transform_3(%arg0: i32, %arg1: i32) -> (i32, i32, i32) {
    %c0_i32 = arith.constant 0 : i32
    %c0_i32_0 = arith.constant 0 : i32
    %c0_i32_1 = arith.constant 0 : i32
    return %arg0, %c0_i32, %c0_i32_0 : i32, i32, i32
  }
  func.func @transform_4(%arg0: i32, %arg1: i32) -> (i32, i32, i32) {
    %c0_i32 = arith.constant 0 : i32
    %c0_i32_0 = arith.constant 0 : i32
    %c0_i32_1 = arith.constant 0 : i32
    return %arg0, %c0_i32, %c0_i32_0 : i32, i32, i32
  }
  func.func @transform_5(%arg0: i32, %arg1: i32) -> (i32, i32, i32) {
    %c0_i32 = arith.constant 0 : i32
    %c0_i32_0 = arith.constant 0 : i32
    %c0_i32_1 = arith.constant 0 : i32
    return %arg0, %c0_i32, %c0_i32_0 : i32, i32, i32
  }
  func.func @transform_6(%arg0: i32, %arg1: i32) -> (i32, i32, i32) {
    %c0_i32 = arith.constant 0 : i32
    %c0_i32_0 = arith.constant 0 : i32
    %c0_i32_1 = arith.constant 0 : i32
    return %arg0, %c0_i32, %c0_i32_0 : i32, i32, i32
  }
  func.func @transform_7(%arg0: i32, %arg1: i32) -> (i32, i32, i32) {
    %c0_i32 = arith.constant 0 : i32
    %c0_i32_0 = arith.constant 0 : i32
    return %arg0, %arg1, %c0_i32 : i32, i32, i32
  }
  func.func @transform_8(%arg0: i32, %arg1: i32) -> (i32, i32, i32) {
    %c0_i32 = arith.constant 0 : i32
    %c0_i32_0 = arith.constant 0 : i32
    return %arg0, %arg1, %c0_i32 : i32, i32, i32
  }
  func.func @transform_9(%arg0: i32, %arg1: i32) -> (i32, i32, i32) {
    %c0_i32 = arith.constant 0 : i32
    %c0_i32_0 = arith.constant 0 : i32
    return %arg0, %arg1, %c0_i32 : i32, i32, i32
  }
}

module attributes {stable_mosaic.version = 14 : i64} {
  func.func @_flash_body(%arg0: i32, %arg1: i32, %arg2: i32, %arg3: memref<1x512x128xbf16, #tpu.memory_space<vmem>>, %arg4: memref<1x2048x128xbf16, #tpu.memory_space<vmem>>, %arg5: memref<1x2048x128xbf16, #tpu.memory_space<vmem>>, %arg6: memref<1x512x128xbf16, #tpu.memory_space<vmem>>) attributes {dimension_semantics = [#tpu.dimension_semantics<parallel>, #tpu.dimension_semantics<parallel>, #tpu.dimension_semantics<arbitrary>], iteration_bounds = array<i64: 2, 8, 4>, scalar_prefetch = 0 : i64, scratch_operands = 0 : i64, tpu.core_type = #tpu.core_type<tc>, window_params = [{transform_indices = @transform_0, window_bounds = array<i64: 1, 512, 128>}, {transform_indices = @transform_1, window_bounds = array<i64: 1, 2048, 128>}, {transform_indices = @transform_2, window_bounds = array<i64: 1, 2048, 128>}, {transform_indices = @transform_3, window_bounds = array<i64: 1, 512, 128>}]} {
    %get3A = arith.constant 0 : index
    %get3A_0 = arith.constant 0 : index
    %get3A_1 = arith.constant 0 : index
    %get3A_2 = vector.load %arg3[%get3A, %get3A_0, %get3A_1] : memref<1x512x128xbf16, #tpu.memory_space<vmem>>, vector<1x512x128xbf16>
    %get3A_3 = vector.shape_cast %get3A_2 : vector<1x512x128xbf16> to vector<512x128xbf16>
    %slice3A = vector.extract_strided_slice %get3A_3 {offsets = [0, 0], sizes = [512, 64], strides = [1, 1]} : vector<512x128xbf16> to vector<512x64xbf16>
    %slice3A_4 = vector.extract_strided_slice %get3A_3 {offsets = [0, 64], sizes = [512, 64], strides = [1, 1]} : vector<512x128xbf16> to vector<512x64xbf16>
    %broadcast_in_dim3A = arith.constant 1.000000e+00 : bf16
    %broadcast_in_dim3A_5 = vector.broadcast %broadcast_in_dim3A : bf16 to vector<512x1xbf16>
    %broadcast_in_dim3A_6 = arith.constant 0xFF800000 : f32
    %broadcast_in_dim3A_7 = vector.broadcast %broadcast_in_dim3A_6 : f32 to vector<512x1xf32>
    %broadcast_in_dim3A_8 = arith.constant 0.000000e+00 : f32
    %broadcast_in_dim3A_9 = vector.broadcast %broadcast_in_dim3A_8 : f32 to vector<512x1xf32>
    %broadcast_in_dim3A_10 = arith.constant 0.000000e+00 : f32
    %broadcast_in_dim3A_11 = vector.broadcast %broadcast_in_dim3A_10 : f32 to vector<512x64xf32>
    %while3A = arith.constant 0 : i32
    %while3A_12 = arith.subi %arg2, %while3A : i32
    %while3A_13 = arith.addi %while3A, %while3A_12 : i32
    %while3A_14 = arith.constant 1 : i32
    %while3A_15 = arith.divsi %while3A_12, %while3A_14 : i32
    %while3A_16 = arith.muli %while3A_15, %while3A_14 : i32
    %while3A_17 = arith.addi %while3A, %while3A_16 : i32
    %while3A_18 = arith.constant 1 : i32
    %while3A_19:6 = scf.for %while3A_90 = %while3A to %while3A_17 step %while3A_18 iter_args(%while3A_91 = %broadcast_in_dim3A_7, %while3A_92 = %broadcast_in_dim3A_9, %while3A_93 = %broadcast_in_dim3A_11, %while3A_94 = %broadcast_in_dim3A_7, %while3A_95 = %broadcast_in_dim3A_9, %while3A_96 = %broadcast_in_dim3A_11) -> (vector<512x1xf32>, vector<512x1xf32>, vector<512x64xf32>, vector<512x1xf32>, vector<512x1xf32>, vector<512x64xf32>)  : i32 {
      %mul3A_97 = arith.constant 512 : i32
      %mul3A_98 = arith.muli %while3A_90, %mul3A_97 : i32
      %get3A_99 = arith.constant 0 : index
      %get3A_100 = arith.index_cast %mul3A_98 : i32 to index
      %get3A_101 = arith.constant 0 : index
      %get3A_102 = vector.load %arg4[%get3A_99, %get3A_100, %get3A_101] : memref<1x2048x128xbf16, #tpu.memory_space<vmem>>, vector<1x512x128xbf16>
      %get3A_103 = vector.shape_cast %get3A_102 : vector<1x512x128xbf16> to vector<512x128xbf16>
      %mul3A_104 = arith.constant 512 : i32
      %mul3A_105 = arith.muli %while3A_90, %mul3A_104 : i32
      %get3A_106 = arith.constant 0 : index
      %get3A_107 = arith.index_cast %mul3A_105 : i32 to index
      %get3A_108 = arith.constant 0 : index
      %get3A_109 = vector.load %arg5[%get3A_106, %get3A_107, %get3A_108] : memref<1x2048x128xbf16, #tpu.memory_space<vmem>>, vector<1x512x128xbf16>
      %get3A_110 = vector.shape_cast %get3A_109 : vector<1x512x128xbf16> to vector<512x128xbf16>
      %slice3A_111 = vector.extract_strided_slice %get3A_103 {offsets = [0, 0], sizes = [512, 64], strides = [1, 1]} : vector<512x128xbf16> to vector<512x64xbf16>
      %dot_general3A_112 = arith.constant dense<0.000000e+00> : vector<512x512xf32>
      %dot_general3A_113 = tpu.matmul %slice3A, %slice3A_111, %dot_general3A_112 {dimension_numbers = #tpu.dot_dimension_numbers<[1], [1], [0], [0], [0, 0, 1, 0], [], []>, transpose_lhs_hint = false} : vector<512x64xbf16>, vector<512x64xbf16>, vector<512x512xf32> -> vector<512x512xf32>
      %slice3A_114 = vector.extract_strided_slice %get3A_103 {offsets = [0, 64], sizes = [512, 64], strides = [1, 1]} : vector<512x128xbf16> to vector<512x64xbf16>
      %dot_general3A_115 = arith.constant dense<0.000000e+00> : vector<512x512xf32>
      %dot_general3A_116 = tpu.matmul %slice3A_4, %slice3A_114, %dot_general3A_115 {dimension_numbers = #tpu.dot_dimension_numbers<[1], [1], [0], [0], [0, 0, 1, 0], [], []>, transpose_lhs_hint = false} : vector<512x64xbf16>, vector<512x64xbf16>, vector<512x512xf32> -> vector<512x512xf32>
      %slice3A_117 = vector.extract_strided_slice %get3A_110 {offsets = [0, 0], sizes = [512, 64], strides = [1, 1]} : vector<512x128xbf16> to vector<512x64xbf16>
      %reduce_max3A_118 = arith.constant dense<0xFF800000> : vector<512xf32>
      %reduce_max3A_119 = vector.multi_reduction <maximumf>, %dot_general3A_113, %reduce_max3A_118 [1] : vector<512x512xf32> to vector<512xf32>
      %broadcast_in_dim3A_120 = vector.shape_cast %reduce_max3A_119 : vector<512xf32> to vector<512x1xf32>
      %max3A_121 = arith.maximumf %while3A_91, %broadcast_in_dim3A_120 : vector<512x1xf32>
      %sub3A_122 = vector.broadcast %max3A_121 : vector<512x1xf32> to vector<512x512xf32>
      %sub3A_123 = arith.subf %dot_general3A_113, %sub3A_122 : vector<512x512xf32>
      %exp23A_124 = math.exp2 %sub3A_123 : vector<512x512xf32>
      %convert_element_type3A_125 = arith.truncf %exp23A_124 : vector<512x512xf32> to vector<512x512xbf16>
      %sub3A_126 = arith.subf %while3A_91, %max3A_121 : vector<512x1xf32>
      %exp23A_127 = math.exp2 %sub3A_126 : vector<512x1xf32>
      %concatenate3A_128 = tpu.concatenate %slice3A_117, %broadcast_in_dim3A_5 in 1 : vector<512x64xbf16>, vector<512x1xbf16> -> vector<512x65xbf16>
      %dot_general3A_129 = arith.constant dense<0.000000e+00> : vector<512x65xf32>
      %dot_general3A_130 = tpu.matmul %convert_element_type3A_125, %concatenate3A_128, %dot_general3A_129 {dimension_numbers = #tpu.dot_dimension_numbers<[1], [0], [0], [1], [0, 0, 1, 1], [], []>, transpose_lhs_hint = false} : vector<512x512xbf16>, vector<512x65xbf16>, vector<512x65xf32> -> vector<512x65xf32>
      %mul3A_131 = arith.mulf %while3A_92, %exp23A_127 : vector<512x1xf32>
      %slice3A_132 = vector.extract_strided_slice %dot_general3A_130 {offsets = [0, 64], sizes = [512, 1], strides = [1, 1]} : vector<512x65xf32> to vector<512x1xf32>
      %add3A_133 = arith.addf %mul3A_131, %slice3A_132 : vector<512x1xf32>
      %mul3A_134 = vector.broadcast %exp23A_127 : vector<512x1xf32> to vector<512x64xf32>
      %mul3A_135 = arith.mulf %while3A_93, %mul3A_134 : vector<512x64xf32>
      %slice3A_136 = vector.extract_strided_slice %dot_general3A_130 {offsets = [0, 0], sizes = [512, 64], strides = [1, 1]} : vector<512x65xf32> to vector<512x64xf32>
      %add3A_137 = arith.addf %mul3A_135, %slice3A_136 : vector<512x64xf32>
      %slice3A_138 = vector.extract_strided_slice %get3A_110 {offsets = [0, 64], sizes = [512, 64], strides = [1, 1]} : vector<512x128xbf16> to vector<512x64xbf16>
      %reduce_max3A_139 = arith.constant dense<0xFF800000> : vector<512xf32>
      %reduce_max3A_140 = vector.multi_reduction <maximumf>, %dot_general3A_116, %reduce_max3A_139 [1] : vector<512x512xf32> to vector<512xf32>
      %broadcast_in_dim3A_141 = vector.shape_cast %reduce_max3A_140 : vector<512xf32> to vector<512x1xf32>
      %max3A_142 = arith.maximumf %while3A_94, %broadcast_in_dim3A_141 : vector<512x1xf32>
      %sub3A_143 = vector.broadcast %max3A_142 : vector<512x1xf32> to vector<512x512xf32>
      %sub3A_144 = arith.subf %dot_general3A_116, %sub3A_143 : vector<512x512xf32>
      %exp23A_145 = math.exp2 %sub3A_144 : vector<512x512xf32>
      %convert_element_type3A_146 = arith.truncf %exp23A_145 : vector<512x512xf32> to vector<512x512xbf16>
      %sub3A_147 = arith.subf %while3A_94, %max3A_142 : vector<512x1xf32>
      %exp23A_148 = math.exp2 %sub3A_147 : vector<512x1xf32>
      %concatenate3A_149 = tpu.concatenate %slice3A_138, %broadcast_in_dim3A_5 in 1 : vector<512x64xbf16>, vector<512x1xbf16> -> vector<512x65xbf16>
      %dot_general3A_150 = arith.constant dense<0.000000e+00> : vector<512x65xf32>
      %dot_general3A_151 = tpu.matmul %convert_element_type3A_146, %concatenate3A_149, %dot_general3A_150 {dimension_numbers = #tpu.dot_dimension_numbers<[1], [0], [0], [1], [0, 0, 1, 1], [], []>, transpose_lhs_hint = false} : vector<512x512xbf16>, vector<512x65xbf16>, vector<512x65xf32> -> vector<512x65xf32>
      %mul3A_152 = arith.mulf %while3A_95, %exp23A_148 : vector<512x1xf32>
      %slice3A_153 = vector.extract_strided_slice %dot_general3A_151 {offsets = [0, 64], sizes = [512, 1], strides = [1, 1]} : vector<512x65xf32> to vector<512x1xf32>
      %add3A_154 = arith.addf %mul3A_152, %slice3A_153 : vector<512x1xf32>
      %mul3A_155 = vector.broadcast %exp23A_148 : vector<512x1xf32> to vector<512x64xf32>
      %mul3A_156 = arith.mulf %while3A_96, %mul3A_155 : vector<512x64xf32>
      %slice3A_157 = vector.extract_strided_slice %dot_general3A_151 {offsets = [0, 0], sizes = [512, 64], strides = [1, 1]} : vector<512x65xf32> to vector<512x64xf32>
      %add3A_158 = arith.addf %mul3A_156, %slice3A_157 : vector<512x64xf32>
      scf.yield %max3A_121, %add3A_133, %add3A_137, %max3A_142, %add3A_154, %add3A_158 : vector<512x1xf32>, vector<512x1xf32>, vector<512x64xf32>, vector<512x1xf32>, vector<512x1xf32>, vector<512x64xf32>
    }
    %while3A_20 = arith.constant 1 : i32
    %while3A_21:6 = scf.for %while3A_90 = %while3A_17 to %while3A_13 step %while3A_20 iter_args(%while3A_91 = %while3A_19#0, %while3A_92 = %while3A_19#1, %while3A_93 = %while3A_19#2, %while3A_94 = %while3A_19#3, %while3A_95 = %while3A_19#4, %while3A_96 = %while3A_19#5) -> (vector<512x1xf32>, vector<512x1xf32>, vector<512x64xf32>, vector<512x1xf32>, vector<512x1xf32>, vector<512x64xf32>)  : i32 {
      %mul3A_97 = arith.constant 512 : i32
      %mul3A_98 = arith.muli %while3A_90, %mul3A_97 : i32
      %get3A_99 = arith.constant 0 : index
      %get3A_100 = arith.index_cast %mul3A_98 : i32 to index
      %get3A_101 = arith.constant 0 : index
      %get3A_102 = vector.load %arg4[%get3A_99, %get3A_100, %get3A_101] : memref<1x2048x128xbf16, #tpu.memory_space<vmem>>, vector<1x512x128xbf16>
      %get3A_103 = vector.shape_cast %get3A_102 : vector<1x512x128xbf16> to vector<512x128xbf16>
      %mul3A_104 = arith.constant 512 : i32
      %mul3A_105 = arith.muli %while3A_90, %mul3A_104 : i32
      %get3A_106 = arith.constant 0 : index
      %get3A_107 = arith.index_cast %mul3A_105 : i32 to index
      %get3A_108 = arith.constant 0 : index
      %get3A_109 = vector.load %arg5[%get3A_106, %get3A_107, %get3A_108] : memref<1x2048x128xbf16, #tpu.memory_space<vmem>>, vector<1x512x128xbf16>
      %get3A_110 = vector.shape_cast %get3A_109 : vector<1x512x128xbf16> to vector<512x128xbf16>
      %slice3A_111 = vector.extract_strided_slice %get3A_103 {offsets = [0, 0], sizes = [512, 64], strides = [1, 1]} : vector<512x128xbf16> to vector<512x64xbf16>
      %dot_general3A_112 = arith.constant dense<0.000000e+00> : vector<512x512xf32>
      %dot_general3A_113 = tpu.matmul %slice3A, %slice3A_111, %dot_general3A_112 {dimension_numbers = #tpu.dot_dimension_numbers<[1], [1], [0], [0], [0, 0, 1, 0], [], []>, transpose_lhs_hint = false} : vector<512x64xbf16>, vector<512x64xbf16>, vector<512x512xf32> -> vector<512x512xf32>
      %slice3A_114 = vector.extract_strided_slice %get3A_103 {offsets = [0, 64], sizes = [512, 64], strides = [1, 1]} : vector<512x128xbf16> to vector<512x64xbf16>
      %dot_general3A_115 = arith.constant dense<0.000000e+00> : vector<512x512xf32>
      %dot_general3A_116 = tpu.matmul %slice3A_4, %slice3A_114, %dot_general3A_115 {dimension_numbers = #tpu.dot_dimension_numbers<[1], [1], [0], [0], [0, 0, 1, 0], [], []>, transpose_lhs_hint = false} : vector<512x64xbf16>, vector<512x64xbf16>, vector<512x512xf32> -> vector<512x512xf32>
      %slice3A_117 = vector.extract_strided_slice %get3A_110 {offsets = [0, 0], sizes = [512, 64], strides = [1, 1]} : vector<512x128xbf16> to vector<512x64xbf16>
      %reduce_max3A_118 = arith.constant dense<0xFF800000> : vector<512xf32>
      %reduce_max3A_119 = vector.multi_reduction <maximumf>, %dot_general3A_113, %reduce_max3A_118 [1] : vector<512x512xf32> to vector<512xf32>
      %broadcast_in_dim3A_120 = vector.shape_cast %reduce_max3A_119 : vector<512xf32> to vector<512x1xf32>
      %max3A_121 = arith.maximumf %while3A_91, %broadcast_in_dim3A_120 : vector<512x1xf32>
      %sub3A_122 = vector.broadcast %max3A_121 : vector<512x1xf32> to vector<512x512xf32>
      %sub3A_123 = arith.subf %dot_general3A_113, %sub3A_122 : vector<512x512xf32>
      %exp23A_124 = math.exp2 %sub3A_123 : vector<512x512xf32>
      %convert_element_type3A_125 = arith.truncf %exp23A_124 : vector<512x512xf32> to vector<512x512xbf16>
      %sub3A_126 = arith.subf %while3A_91, %max3A_121 : vector<512x1xf32>
      %exp23A_127 = math.exp2 %sub3A_126 : vector<512x1xf32>
      %concatenate3A_128 = tpu.concatenate %slice3A_117, %broadcast_in_dim3A_5 in 1 : vector<512x64xbf16>, vector<512x1xbf16> -> vector<512x65xbf16>
      %dot_general3A_129 = arith.constant dense<0.000000e+00> : vector<512x65xf32>
      %dot_general3A_130 = tpu.matmul %convert_element_type3A_125, %concatenate3A_128, %dot_general3A_129 {dimension_numbers = #tpu.dot_dimension_numbers<[1], [0], [0], [1], [0, 0, 1, 1], [], []>, transpose_lhs_hint = false} : vector<512x512xbf16>, vector<512x65xbf16>, vector<512x65xf32> -> vector<512x65xf32>
      %mul3A_131 = arith.mulf %while3A_92, %exp23A_127 : vector<512x1xf32>
      %slice3A_132 = vector.extract_strided_slice %dot_general3A_130 {offsets = [0, 64], sizes = [512, 1], strides = [1, 1]} : vector<512x65xf32> to vector<512x1xf32>
      %add3A_133 = arith.addf %mul3A_131, %slice3A_132 : vector<512x1xf32>
      %mul3A_134 = vector.broadcast %exp23A_127 : vector<512x1xf32> to vector<512x64xf32>
      %mul3A_135 = arith.mulf %while3A_93, %mul3A_134 : vector<512x64xf32>
      %slice3A_136 = vector.extract_strided_slice %dot_general3A_130 {offsets = [0, 0], sizes = [512, 64], strides = [1, 1]} : vector<512x65xf32> to vector<512x64xf32>
      %add3A_137 = arith.addf %mul3A_135, %slice3A_136 : vector<512x64xf32>
      %slice3A_138 = vector.extract_strided_slice %get3A_110 {offsets = [0, 64], sizes = [512, 64], strides = [1, 1]} : vector<512x128xbf16> to vector<512x64xbf16>
      %reduce_max3A_139 = arith.constant dense<0xFF800000> : vector<512xf32>
      %reduce_max3A_140 = vector.multi_reduction <maximumf>, %dot_general3A_116, %reduce_max3A_139 [1] : vector<512x512xf32> to vector<512xf32>
      %broadcast_in_dim3A_141 = vector.shape_cast %reduce_max3A_140 : vector<512xf32> to vector<512x1xf32>
      %max3A_142 = arith.maximumf %while3A_94, %broadcast_in_dim3A_141 : vector<512x1xf32>
      %sub3A_143 = vector.broadcast %max3A_142 : vector<512x1xf32> to vector<512x512xf32>
      %sub3A_144 = arith.subf %dot_general3A_116, %sub3A_143 : vector<512x512xf32>
      %exp23A_145 = math.exp2 %sub3A_144 : vector<512x512xf32>
      %convert_element_type3A_146 = arith.truncf %exp23A_145 : vector<512x512xf32> to vector<512x512xbf16>
      %sub3A_147 = arith.subf %while3A_94, %max3A_142 : vector<512x1xf32>
      %exp23A_148 = math.exp2 %sub3A_147 : vector<512x1xf32>
      %concatenate3A_149 = tpu.concatenate %slice3A_138, %broadcast_in_dim3A_5 in 1 : vector<512x64xbf16>, vector<512x1xbf16> -> vector<512x65xbf16>
      %dot_general3A_150 = arith.constant dense<0.000000e+00> : vector<512x65xf32>
      %dot_general3A_151 = tpu.matmul %convert_element_type3A_146, %concatenate3A_149, %dot_general3A_150 {dimension_numbers = #tpu.dot_dimension_numbers<[1], [0], [0], [1], [0, 0, 1, 1], [], []>, transpose_lhs_hint = false} : vector<512x512xbf16>, vector<512x65xbf16>, vector<512x65xf32> -> vector<512x65xf32>
      %mul3A_152 = arith.mulf %while3A_95, %exp23A_148 : vector<512x1xf32>
      %slice3A_153 = vector.extract_strided_slice %dot_general3A_151 {offsets = [0, 64], sizes = [512, 1], strides = [1, 1]} : vector<512x65xf32> to vector<512x1xf32>
      %add3A_154 = arith.addf %mul3A_152, %slice3A_153 : vector<512x1xf32>
      %mul3A_155 = vector.broadcast %exp23A_148 : vector<512x1xf32> to vector<512x64xf32>
      %mul3A_156 = arith.mulf %while3A_96, %mul3A_155 : vector<512x64xf32>
      %slice3A_157 = vector.extract_strided_slice %dot_general3A_151 {offsets = [0, 0], sizes = [512, 64], strides = [1, 1]} : vector<512x65xf32> to vector<512x64xf32>
      %add3A_158 = arith.addf %mul3A_156, %slice3A_157 : vector<512x64xf32>
      scf.yield %max3A_121, %add3A_133, %add3A_137, %max3A_142, %add3A_154, %add3A_158 : vector<512x1xf32>, vector<512x1xf32>, vector<512x64xf32>, vector<512x1xf32>, vector<512x1xf32>, vector<512x64xf32>
    }
    %iota3A = tpu.iota {dimensions = array<i32: 0>} : vector<512x512xi32>
    %iota3A_22 = tpu.iota {dimensions = array<i32: 1>} : vector<512x512xi32>
    %le3A = arith.cmpi sle, %iota3A_22, %iota3A : vector<512x512xi32>
    %mul3A = arith.constant 512 : i32
    %mul3A_23 = arith.muli %arg2, %mul3A : i32
    %get3A_24 = arith.constant 0 : index
    %get3A_25 = arith.index_cast %mul3A_23 : i32 to index
    %get3A_26 = arith.constant 0 : index
    %get3A_27 = vector.load %arg4[%get3A_24, %get3A_25, %get3A_26] : memref<1x2048x128xbf16, #tpu.memory_space<vmem>>, vector<1x512x128xbf16>
    %get3A_28 = vector.shape_cast %get3A_27 : vector<1x512x128xbf16> to vector<512x128xbf16>
    %mul3A_29 = arith.constant 512 : i32
    %mul3A_30 = arith.muli %arg2, %mul3A_29 : i32
    %get3A_31 = arith.constant 0 : index
    %get3A_32 = arith.index_cast %mul3A_30 : i32 to index
    %get3A_33 = arith.constant 0 : index
    %get3A_34 = vector.load %arg5[%get3A_31, %get3A_32, %get3A_33] : memref<1x2048x128xbf16, #tpu.memory_space<vmem>>, vector<1x512x128xbf16>
    %get3A_35 = vector.shape_cast %get3A_34 : vector<1x512x128xbf16> to vector<512x128xbf16>
    %slice3A_36 = vector.extract_strided_slice %get3A_28 {offsets = [0, 0], sizes = [512, 64], strides = [1, 1]} : vector<512x128xbf16> to vector<512x64xbf16>
    %dot_general3A = arith.constant dense<0.000000e+00> : vector<512x512xf32>
    %dot_general3A_37 = tpu.matmul %slice3A, %slice3A_36, %dot_general3A {dimension_numbers = #tpu.dot_dimension_numbers<[1], [1], [0], [0], [0, 0, 1, 0], [], []>, transpose_lhs_hint = false} : vector<512x64xbf16>, vector<512x64xbf16>, vector<512x512xf32> -> vector<512x512xf32>
    %slice3A_38 = vector.extract_strided_slice %get3A_28 {offsets = [0, 64], sizes = [512, 64], strides = [1, 1]} : vector<512x128xbf16> to vector<512x64xbf16>
    %dot_general3A_39 = arith.constant dense<0.000000e+00> : vector<512x512xf32>
    %dot_general3A_40 = tpu.matmul %slice3A_4, %slice3A_38, %dot_general3A_39 {dimension_numbers = #tpu.dot_dimension_numbers<[1], [1], [0], [0], [0, 0, 1, 0], [], []>, transpose_lhs_hint = false} : vector<512x64xbf16>, vector<512x64xbf16>, vector<512x512xf32> -> vector<512x512xf32>
    %slice3A_41 = vector.extract_strided_slice %get3A_35 {offsets = [0, 0], sizes = [512, 64], strides = [1, 1]} : vector<512x128xbf16> to vector<512x64xbf16>
    %jit3A = arith.constant -1.000000e+30 : f32
    %broadcast_in_dim3A_42 = vector.broadcast %jit3A : f32 to vector<512x512xf32>
    %select_n3A = arith.select %le3A, %dot_general3A_37, %broadcast_in_dim3A_42 : vector<512x512xi1>, vector<512x512xf32>
    %reduce_max3A = arith.constant dense<0xFF800000> : vector<512xf32>
    %reduce_max3A_43 = vector.multi_reduction <maximumf>, %select_n3A, %reduce_max3A [1] : vector<512x512xf32> to vector<512xf32>
    %broadcast_in_dim3A_44 = vector.shape_cast %reduce_max3A_43 : vector<512xf32> to vector<512x1xf32>
    %max3A = arith.maximumf %while3A_21#0, %broadcast_in_dim3A_44 : vector<512x1xf32>
    %sub3A = vector.broadcast %max3A : vector<512x1xf32> to vector<512x512xf32>
    %sub3A_45 = arith.subf %select_n3A, %sub3A : vector<512x512xf32>
    %exp23A = math.exp2 %sub3A_45 : vector<512x512xf32>
    %convert_element_type3A = arith.truncf %exp23A : vector<512x512xf32> to vector<512x512xbf16>
    %sub3A_46 = arith.subf %while3A_21#0, %max3A : vector<512x1xf32>
    %exp23A_47 = math.exp2 %sub3A_46 : vector<512x1xf32>
    %concatenate3A = tpu.concatenate %slice3A_41, %broadcast_in_dim3A_5 in 1 : vector<512x64xbf16>, vector<512x1xbf16> -> vector<512x65xbf16>
    %dot_general3A_48 = arith.constant dense<0.000000e+00> : vector<512x65xf32>
    %dot_general3A_49 = tpu.matmul %convert_element_type3A, %concatenate3A, %dot_general3A_48 {dimension_numbers = #tpu.dot_dimension_numbers<[1], [0], [0], [1], [0, 0, 1, 1], [], []>, transpose_lhs_hint = false} : vector<512x512xbf16>, vector<512x65xbf16>, vector<512x65xf32> -> vector<512x65xf32>
    %mul3A_50 = arith.mulf %while3A_21#1, %exp23A_47 : vector<512x1xf32>
    %slice3A_51 = vector.extract_strided_slice %dot_general3A_49 {offsets = [0, 64], sizes = [512, 1], strides = [1, 1]} : vector<512x65xf32> to vector<512x1xf32>
    %add3A = arith.addf %mul3A_50, %slice3A_51 : vector<512x1xf32>
    %mul3A_52 = vector.broadcast %exp23A_47 : vector<512x1xf32> to vector<512x64xf32>
    %mul3A_53 = arith.mulf %while3A_21#2, %mul3A_52 : vector<512x64xf32>
    %slice3A_54 = vector.extract_strided_slice %dot_general3A_49 {offsets = [0, 0], sizes = [512, 64], strides = [1, 1]} : vector<512x65xf32> to vector<512x64xf32>
    %add3A_55 = arith.addf %mul3A_53, %slice3A_54 : vector<512x64xf32>
    %slice3A_56 = vector.extract_strided_slice %get3A_35 {offsets = [0, 64], sizes = [512, 64], strides = [1, 1]} : vector<512x128xbf16> to vector<512x64xbf16>
    %jit3A_57 = arith.constant -1.000000e+30 : f32
    %broadcast_in_dim3A_58 = vector.broadcast %jit3A_57 : f32 to vector<512x512xf32>
    %select_n3A_59 = arith.select %le3A, %dot_general3A_40, %broadcast_in_dim3A_58 : vector<512x512xi1>, vector<512x512xf32>
    %reduce_max3A_60 = arith.constant dense<0xFF800000> : vector<512xf32>
    %reduce_max3A_61 = vector.multi_reduction <maximumf>, %select_n3A_59, %reduce_max3A_60 [1] : vector<512x512xf32> to vector<512xf32>
    %broadcast_in_dim3A_62 = vector.shape_cast %reduce_max3A_61 : vector<512xf32> to vector<512x1xf32>
    %max3A_63 = arith.maximumf %while3A_21#3, %broadcast_in_dim3A_62 : vector<512x1xf32>
    %sub3A_64 = vector.broadcast %max3A_63 : vector<512x1xf32> to vector<512x512xf32>
    %sub3A_65 = arith.subf %select_n3A_59, %sub3A_64 : vector<512x512xf32>
    %exp23A_66 = math.exp2 %sub3A_65 : vector<512x512xf32>
    %convert_element_type3A_67 = arith.truncf %exp23A_66 : vector<512x512xf32> to vector<512x512xbf16>
    %sub3A_68 = arith.subf %while3A_21#3, %max3A_63 : vector<512x1xf32>
    %exp23A_69 = math.exp2 %sub3A_68 : vector<512x1xf32>
    %concatenate3A_70 = tpu.concatenate %slice3A_56, %broadcast_in_dim3A_5 in 1 : vector<512x64xbf16>, vector<512x1xbf16> -> vector<512x65xbf16>
    %dot_general3A_71 = arith.constant dense<0.000000e+00> : vector<512x65xf32>
    %dot_general3A_72 = tpu.matmul %convert_element_type3A_67, %concatenate3A_70, %dot_general3A_71 {dimension_numbers = #tpu.dot_dimension_numbers<[1], [0], [0], [1], [0, 0, 1, 1], [], []>, transpose_lhs_hint = false} : vector<512x512xbf16>, vector<512x65xbf16>, vector<512x65xf32> -> vector<512x65xf32>
    %mul3A_73 = arith.mulf %while3A_21#4, %exp23A_69 : vector<512x1xf32>
    %slice3A_74 = vector.extract_strided_slice %dot_general3A_72 {offsets = [0, 64], sizes = [512, 1], strides = [1, 1]} : vector<512x65xf32> to vector<512x1xf32>
    %add3A_75 = arith.addf %mul3A_73, %slice3A_74 : vector<512x1xf32>
    %mul3A_76 = vector.broadcast %exp23A_69 : vector<512x1xf32> to vector<512x64xf32>
    %mul3A_77 = arith.mulf %while3A_21#5, %mul3A_76 : vector<512x64xf32>
    %slice3A_78 = vector.extract_strided_slice %dot_general3A_72 {offsets = [0, 0], sizes = [512, 64], strides = [1, 1]} : vector<512x65xf32> to vector<512x64xf32>
    %add3A_79 = arith.addf %mul3A_77, %slice3A_78 : vector<512x64xf32>
    %div3A = vector.broadcast %add3A : vector<512x1xf32> to vector<512x64xf32>
    %div3A_80 = arith.divf %add3A_55, %div3A : vector<512x64xf32>
    %div3A_81 = vector.broadcast %add3A_75 : vector<512x1xf32> to vector<512x64xf32>
    %div3A_82 = arith.divf %add3A_79, %div3A_81 : vector<512x64xf32>
    %concatenate3A_83 = tpu.concatenate %div3A_80, %div3A_82 in 1 : vector<512x64xf32>, vector<512x64xf32> -> vector<512x128xf32>
    %convert_element_type3A_84 = arith.truncf %concatenate3A_83 : vector<512x128xf32> to vector<512x128xbf16>
    %swap3A = arith.constant 0 : index
    %swap3A_85 = arith.constant 0 : index
    %swap3A_86 = arith.constant 0 : index
    %swap3A_87 = vector.load %arg6[%swap3A, %swap3A_85, %swap3A_86] : memref<1x512x128xbf16, #tpu.memory_space<vmem>>, vector<1x512x128xbf16>
    %swap3A_88 = vector.shape_cast %swap3A_87 : vector<1x512x128xbf16> to vector<512x128xbf16>
    %swap3A_89 = vector.shape_cast %convert_element_type3A_84 : vector<512x128xbf16> to vector<1x512x128xbf16>
    tpu.vector_store %arg6[%swap3A, %swap3A_85, %swap3A_86], %swap3A_89 {strides = array<i32>} : memref<1x512x128xbf16, #tpu.memory_space<vmem>>, vector<1x512x128xbf16>,
    return
  }
  func.func @transform_0(%arg0: i32, %arg1: i32, %arg2: i32) -> (i32, i32, i32) {
    %c0_i32 = arith.constant 0 : i32
    return %arg0, %arg2, %arg1 : i32, i32, i32
  }
  func.func @transform_1(%arg0: i32, %arg1: i32, %arg2: i32) -> (i32, i32, i32) {
    %c0_i32 = arith.constant 0 : i32
    %c0_i32_0 = arith.constant 0 : i32
    return %arg0, %c0_i32, %arg1 : i32, i32, i32
  }
  func.func @transform_2(%arg0: i32, %arg1: i32, %arg2: i32) -> (i32, i32, i32) {
    %c0_i32 = arith.constant 0 : i32
    %c0_i32_0 = arith.constant 0 : i32
    return %arg0, %c0_i32, %arg1 : i32, i32, i32
  }
  func.func @transform_3(%arg0: i32, %arg1: i32, %arg2: i32) -> (i32, i32, i32) {
    %c0_i32 = arith.constant 0 : i32
    return %arg0, %arg2, %arg1 : i32, i32, i32
  }
}

module attributes {stable_mosaic.version = 14 : i64} {
  func.func @_proj_body(%arg0: i32, %arg1: i32, %arg2: memref<1x512x1024xbf16, #tpu.memory_space<vmem>>, %arg3: memref<1024x1024xbf16, #tpu.memory_space<vmem>>, %arg4: memref<1x512x1024xf32, #tpu.memory_space<vmem>>) attributes {dimension_semantics = [#tpu.dimension_semantics<parallel>, #tpu.dimension_semantics<parallel>], iteration_bounds = array<i64: 2, 4>, scalar_prefetch = 0 : i64, scratch_operands = 0 : i64, tpu.core_type = #tpu.core_type<tc>, window_params = [{transform_indices = @transform_0, window_bounds = array<i64: 1, 512, 1024>}, {pipeline_mode = #tpu.pipeline_mode<synchronous>, transform_indices = @transform_1, window_bounds = array<i64: 1024, 1024>}, {transform_indices = @transform_2, window_bounds = array<i64: 1, 512, 1024>}]} {
    %get3A = arith.constant 0 : index
    %get3A_0 = arith.constant 0 : index
    %get3A_1 = arith.constant 0 : index
    %get3A_2 = vector.load %arg2[%get3A, %get3A_0, %get3A_1] : memref<1x512x1024xbf16, #tpu.memory_space<vmem>>, vector<1x512x1024xbf16>
    %get3A_3 = vector.shape_cast %get3A_2 : vector<1x512x1024xbf16> to vector<512x1024xbf16>
    %get3A_4 = arith.constant 0 : index
    %get3A_5 = arith.constant 0 : index
    %get3A_6 = vector.load %arg3[%get3A_4, %get3A_5] : memref<1024x1024xbf16, #tpu.memory_space<vmem>>, vector<1024x1024xbf16>
    %dot_general3A = arith.constant dense<0.000000e+00> : vector<512x1024xf32>
    %dot_general3A_7 = tpu.matmul %get3A_3, %get3A_6, %dot_general3A {dimension_numbers = #tpu.dot_dimension_numbers<[1], [1], [0], [0], [0, 0, 1, 0], [], []>, transpose_lhs_hint = false} : vector<512x1024xbf16>, vector<1024x1024xbf16>, vector<512x1024xf32> -> vector<512x1024xf32>
    %swap3A = arith.constant 0 : index
    %swap3A_8 = arith.constant 0 : index
    %swap3A_9 = arith.constant 0 : index
    %swap3A_10 = vector.load %arg4[%swap3A, %swap3A_8, %swap3A_9] : memref<1x512x1024xf32, #tpu.memory_space<vmem>>, vector<1x512x1024xf32>
    %swap3A_11 = vector.shape_cast %swap3A_10 : vector<1x512x1024xf32> to vector<512x1024xf32>
    %swap3A_12 = vector.shape_cast %dot_general3A_7 : vector<512x1024xf32> to vector<1x512x1024xf32>
    tpu.vector_store %arg4[%swap3A, %swap3A_8, %swap3A_9], %swap3A_12 {strides = array<i32>} : memref<1x512x1024xf32, #tpu.memory_space<vmem>>, vector<1x512x1024xf32>,
    return
  }
  func.func @transform_0(%arg0: i32, %arg1: i32) -> (i32, i32, i32) {
    %c0_i32 = arith.constant 0 : i32
    %c0_i32_0 = arith.constant 0 : i32
    return %arg0, %arg1, %c0_i32 : i32, i32, i32
  }
  func.func @transform_1(%arg0: i32, %arg1: i32) -> (i32, i32) {
    %c0_i32 = arith.constant 0 : i32
    %c0_i32_0 = arith.constant 0 : i32
    %c0_i32_1 = arith.constant 0 : i32
    return %c0_i32, %c0_i32_0 : i32, i32
  }
  func.func @transform_2(%arg0: i32, %arg1: i32) -> (i32, i32, i32) {
    %c0_i32 = arith.constant 0 : i32
    %c0_i32_0 = arith.constant 0 : i32
    return %arg0, %arg1, %c0_i32 : i32, i32, i32
  }
}

</mosaic_0001>

<sc_bundles>
// kernel: kernel.6.cloned.1.call-start
scs
__scs_entry_jumppad:
0x0: {  	(pc) =	sbr.rel $0x88, $3  }
0x1: {  	(tag) =	ssettag $0x0;
	lr =	simm.s32 $0x1  }
0x2: {  	[smem:$0x3F91] =	sst lr;
	_ =	strace $0xD0000000  }
0x3: {  	_ = 	snop  }
0x4: {  	_ = 	snop  }
0x5: {  	_ = 	snop  }
0x6: {  	_ = 	snop  }
0x7: {  	_ = 	snop  }
__scs_overlays_trampoline_lowered:
0x8: {  	[smem:$0x3FA0] =	sst s0  }
0x9: {  	[smem:$0x3FA1] =	sst s1  }
0xa: {  	[smem:$0x3FA2] =	sst s2  }
0xb: {  	[smem:$0x3FA3] =	sst s3  }
0xc: {  	[smem:$0x3FA4] =	sst s4  }
0xd: {  	[smem:$0x3FA5] =	sst s5  }
0xe: {  	[smem:$0x3FA6] =	sst s6  }
0xf: {  	[smem:$0x3FA7] =	sst s7  }
0x10: {  	[smem:$0x3FA8] =	sst s8  }
0x11: {  	[smem:$0x3FA9] =	sst s9;
	s0 =	simm.s32 @!p0 $0x0  }
0x12: {  	s1 =	sld [smem:$0x3F8F];
	s0 =	simm.s32 @p0 $0x1  }
0x13: {  	[smem:$0x3FAA] =	sst s0;
	s0 =	simm.s32 @!p1 $0x0  }
0x14: {  	s2 =	sld [smem:$0x3F8E];
	s0 =	simm.s32 @p1 $0x1  }
0x15: {  	[smem:$0x3FAB] =	sst s0;
	s0 =	simm.s32 @!p2 $0x0  }
0x16: {  	s3 =	sld [smem:$0x3FDB];
	s0 =	simm.s32 @p2 $0x1  }
0x17: {  	s4 =	simm.s32 $0x1BF5;
	[smem:$0x3FAD] =	sst s0  }
0x18: {  	s0 =	sld [smem:$0x3F90];
	_ =	swait.ge [sflag:s4], $0x0  }
0x19: {  	s7 =	sld [smem:$0x3F91]  }
0x1a: {  	s8 =	sadd.s32 $0xFFFFE003, lr  }
0x1b: {  	s9 =	sadd.s32 $0xFFFFFEF7, lr;
	s5 =	simm.s32 $0xFFFFFFFF;
	p2 =	slt.u32 s8, $0xFFFFF086  }
0x1c: {  	p1 =	slt.u32 s9, $0xF7A;
	s5 =	simm.s32 @!p2 $0x0  }
0x1d: {  	s5 =	simm.s32 @p1 $0x1;
	p0 =	seq.s32 s7, s2  }
0x1e: {  	s7 =	smul.u32 @!p0 $0xF7A, s2;
	p2 =	seq.s32 @!p0 s5, $0x0  }
0x1f: {  	s9 =	smul.u32 $0xF7A, s1;
	s8 =	simm.s32 @!p0 $0x1BF5;
	p2 =	por !p2, p0  }
0x20: {  	[sflag:s8] =	ssyncset.s32 @!p0 $0xFFFFF086;
	s6 =	sadd.s32 @!p0 s3, s7;
	s7 =	simm.s32 @!p0 $0x108  }
0x21: {  	s3 =	sadd.s32 s3, s9;
	s6 =	sadd.s32 @!p0 $0x88, s6;
	s7 =	simm.s32 @p2 $0x1082  }
0x22: {  	[simem:s7], [sflag:s8] =	dma.local @!p0 [hbm:s6], $0xF7A  }
0x23: {  	s9 =	sor.u32 $0xD0000000, s2;
	s6 =	simm.s32 $0x108;
	_ =	swait.ge @!p0 [sflag:s8], $0x0  }
0x24: {  	s3 =	sadd.s32 $0x88, s3;
	s6 =	simm.s32 @!p1 $0x1082;
	[sflag:s4] =	ssyncset.s32 $0xFFFFF086  }
0x25: {  	[simem:s6], [sflag:s4] =	dma.local [hbm:s3], $0xF7A  }
0x26: {  	[smem:$0x3F91] =	sst s1;
	(tag) =	ssettag s2;
	_ =	strace s9  }
0x27: {  	s1 =	sld [smem:$0x3FA1]  }
0x28: {  	s2 =	sld [smem:$0x3FA2]  }
0x29: {  	s4 =	sld [smem:$0x3FA4]  }
0x2a: {  	p0 =	seq.s32 s5, $0x0;
	s5 =	sld [smem:$0x3FA5]  }
0x2b: {  	s6 =	sld [smem:$0x3FA6]  }
0x2c: {  	s7 =	sld [smem:$0x3FA7]  }
0x2d: {  	s3 =	simm.s32 $0x108;
	s8 =	sld [smem:$0x3FA8]  }
0x2e: {  	s3 =	simm.s32 @!p0 $0x1082;
	s9 =	sld [smem:$0x3FA9]  }
0x2f: {  	lr =	sadd.s32 s0, s3;
	s0 =	sld [smem:$0x3FA0]  }
0x30: {  	s3 =	sld [smem:$0x3FA3]  }
0x31: {  	[smem:$0x3FAC] =	sst s10  }
0x32: {  	s10 =	sld [smem:$0x3FAA];
	_ =	sdelay $0x3  }
0x33: {  	p0 =	seq.s32 s10, $0x1;
	s10 =	sld [smem:$0x3FAC];
	_ =	sdelay $0x3  }
0x34: {  	[smem:$0x3FAC] =	sst s10  }
0x35: {  	s10 =	sld [smem:$0x3FAB];
	_ =	sdelay $0x3  }
0x36: {  	p1 =	seq.s32 s10, $0x1;
	s10 =	sld [smem:$0x3FAC];
	_ =	sdelay $0x3  }
0x37: {  	[smem:$0x3FAC] =	sst s10  }
0x38: {  	s10 =	sld [smem:$0x3FAD]  }
0x39: {  	_ = 	snop;
	(pc) =	sbr.ind lr, $3  }
0x3a: {  	_ = 	snop  }
0x3b: {  	_ = 	snop  }
0x3c: {  	p2 =	seq.s32 s10, $0x1;
	s10 =	sld [smem:$0x3FAC]  }
0x3d: {  	_ =	shalt  }
0x3e: {  	_ =	shalt  }
0x3f: {  	_ =	shalt  }
0x40: {  	_ =	shalt  }
0x41: {  	_ =	shalt  }
0x42: {  	_ =	shalt  }
0x43: {  	_ =	shalt  }
0x44: {  	_ =	shalt  }
0x45: {  	_ =	shalt  }
0x46: {  	_ =	shalt  }
0x47: {  	_ =	shalt  }
0x48: {  	_ =	shalt  }
0x49: {  	_ =	shalt  }
0x4a: {  	_ =	shalt  }
0x4b: {  	_ =	shalt  }
0x4c: {  	_ =	shalt  }
0x4d: {  	_ =	shalt  }
0x4e: {  	_ =	shalt  }
0x4f: {  	_ =	shalt  }
0x50: {  	_ =	shalt  }
0x51: {  	_ =	shalt  }
0x52: {  	_ =	shalt  }
0x53: {  	_ =	shalt  }
0x54: {  	_ =	shalt  }
0x55: {  	_ =	shalt  }
0x56: {  	_ =	shalt  }
0x57: {  	_ =	shalt  }
0x58: {  	_ =	shalt  }
0x59: {  	_ =	shalt  }
0x5a: {  	_ =	shalt  }
0x5b: {  	_ =	shalt  }
0x5c: {  	_ =	shalt  }
0x5d: {  	_ =	shalt  }
0x5e: {  	_ =	shalt  }
0x5f: {  	_ =	shalt  }
0x60: {  	_ =	shalt  }
0x61: {  	_ =	shalt  }
0x62: {  	_ =	shalt  }
0x63: {  	_ =	shalt  }
0x64: {  	_ =	shalt  }
0x65: {  	_ =	shalt  }
0x66: {  	_ =	shalt  }
0x67: {  	_ =	shalt  }
0x68: {  	_ =	shalt  }
0x69: {  	_ =	shalt  }
0x6a: {  	_ =	shalt  }
0x6b: {  	_ =	shalt  }
0x6c: {  	_ =	shalt  }
0x6d: {  	_ =	shalt  }
0x6e: {  	_ =	shalt  }
0x6f: {  	_ =	shalt  }
0x70: {  	_ =	shalt  }
0x71: {  	_ =	shalt  }
0x72: {  	_ =	shalt  }
0x73: {  	_ =	shalt  }
0x74: {  	_ =	shalt  }
0x75: {  	_ =	shalt  }
0x76: {  	_ =	shalt  }
0x77: {  	_ =	shalt  }
0x78: {  	_ =	shalt  }
0x79: {  	_ =	shalt  }
0x7a: {  	_ =	shalt  }
0x7b: {  	_ =	shalt  }
0x7c: {  	_ =	shalt  }
0x7d: {  	_ =	shalt  }
0x7e: {  	_ =	shalt  }
0x7f: {  	_ =	shalt  }
0x80: {  	_ =	shalt  }
0x81: {  	_ =	shalt  }
0x82: {  	_ =	shalt  }
0x83: {  	_ =	shalt  }
0x84: {  	_ =	shalt  }
0x85: {  	_ =	shalt  }
0x86: {  	_ =	shalt  }
0x87: {  	_ =	shalt  }
.Lfunc_end0:
.L_simem_size_0:
called_computation_lowered:
.L_overlay_start_0:
0x88: {  	s2 =	sld [smem:$0x3FD9]  }
0x89: {  	s3 =	sld [smem:$0x3FFE];
	_ =	sdelay $0x1  }
0x8a: {  	s1 =	srdreg.scid  }
0x8b: {  	s0 =	sand.u32 $0x1, s1  }
0x8c: {  	s17 =	sshll.u32 s0, $0xA;
	s2 =	sadd.s32 s3, s2  }
0x8d: {  	s2 =	sadd.s32 s2, s17  }
0x8e: {  	[smem:$0x3FB8] =	sst s2  }
0x8f: {  	_ = 	snop  }
0x90: {  	s2 =	sld [smem:$0x3FD0];
	(tm) =	ssettm $0x1  }
0x91: {  	s18 =	sld [smem:$0x3FFB];
	_ =	sdelay $0x3  }
0x92: {  	_ =	strace s18  }
0x93: {  	s3 =	sld [smem:$0x3FFC];
	_ =	sdelay $0x3  }
0x94: {  	_ =	strace s3  }
0x95: {  	s3 =	sld [smem:$0x3FFD];
	_ =	sdelay $0x3  }
0x96: {  	_ =	strace s3  }
0x97: {  	_ =	strace $0x8FFFFFFF  }
0x98: {  	s19 =	sld [smem:$0x3FDB];
	_ =	sdelay $0x1  }
0x99: {  	s4 =	simm.s32 $_scs_section_size  }
0x9a: {  	s5 =	simm.s32 $_size__tile_overlayer_lowered;
	s6 =	simm.s32 $_tile_overlayer_lowered  }
0x9b: {  	s22 =	simm.s32 $0x1BFF;
	s21 =	sshll.u32 s6, $0x1;
	s3 =	sadd.s32 s4, s19  }
0x9c: {  	s7 =	simm.s32 $0x0;
	s20 =	sshll.u32 s5, $0x1;
	s5 =	sadd.s32 s21, s3  }
0x9d: {  	[timem:s7], [sflag:s22] =	dma.local [hbm:s5], s20  }
0x9e: {  	_ =	swait.ge [sflag:s22], s20  }
0x9f: {  	s4 =	ssub.s32 $0x0, s20;
	[sflag:s22] =	ssyncset.done $0x0  }
0xa0: {  	[sflag:s22] =	ssyncadd.s32 s4;
	_ =	sdelay $0x1  }
0xa1: {  	s23 =	simm.s32 $0x1B8B  }
0xa2: {  	_ =	swait.ge [sflag:s23], $0x1  }
0xa3: {  	[sflag:s23] =	ssyncset.done $0x0  }
0xa4: {  	s25 =	simm.s32 $0x1B8E;
	s24 =	sld [smem:$0x3FFE];
	[sflag:s23] =	ssyncadd.s32 $0xFFFFFFFF  }
0xa5: {  	s26 =	simm.s32 $execute0_lowered;
	[smem:$0x3FD2] =	sst s25  }
0xa6: {  	s5 =	sshll.u32 s26, $0x1;
	_ =	strace $0x80000046;
	[dreg:$0x1] =	wrdreg $0xFFFFFFFF  }
0xa7: {  	s28 =	simm.s32 $_size_execute0_lowered;
	s3 =	sadd.s32 s3, s5;
	[dreg:$0x0] =	wrdreg $0x0  }
0xa8: {  	s5 =	sshll.u32 s28, $0x1;
	[dreg:$0x2] =	wrdreg s3  }
0xa9: {  	[dreg:$0x3] =	wrdreg s5  }
0xaa: {  	[dreg:$0x4] =	wrdreg $0xC0  }
0xab: {  	_ =	task [dreg:s7], $0x5FFFF  }
0xac: {  	[dreg:$0x1] =	wrdreg $0xFFFFFFFF  }
0xad: {  	[dreg:$0x0] =	wrdreg $0x60  }
0xae: {  	[dreg:$0x2] =	wrdreg s2  }
0xaf: {  	[dreg:$0x3] =	wrdreg s24  }
0xb0: {  	[dreg:$0x4] =	wrdreg $0x9  }
0xb1: {  	_ =	task.clear_ibuf [dreg:s7], $0x5FFFF;
	_ =	strace $0x90000046  }
0xb2: {  	s29 =	simm.s32 $0x9;
	_ =	strace $0x80000048  }
0xb3: {  	_ =	swait.ge [sflag:s29], $0x1  }
0xb4: {  	[sflag:s29] =	ssyncadd.s32 $0xFFFFFFFF  }
0xb5: {  	_ =	strace $0x90000048  }
0xb6: {  	_ =	sfence  }
0xb7: {  	s30 =	sld [smem:$0x0];
	_ =	sdelay $0x2  }
0xb8: {  	s31 =	sshll.u32 s1, $0xD;
	s1 =	sshrl.u32 s1, $0x2  }
0xb9: {  	s3 =	sand.u32 $0x4000, s31;
	s1 =	sadd.s32 s1, s30  }
0xba: {  	s0 =	sor.u32 s3, s0;
	s1 =	sshll.u32 s1, $0x11  }
0xbb: {  	s0 =	sor.u32 s1, s0  }
0xbc: {  	s0 =	sadd.s32 $0x8F2B, s0  }
0xbd: {  	[sflag:s0] =	ssyncadd.remote.s32 $0x1  }
0xbe: {  	_ =	sfence.sel $0xFFFF  }
0xbf: {  	[dreg:$0x0] =	wrdreg $0xFFFFFFFF;
	(pc) =	sbr.abs _section_cstart, $3  }
0xc0: {  	[dreg:$0x1] =	wrdreg $0xFFFFFFFF  }
0xc1: {  	_ =	task.clear_ibuf [dreg:s7], $0x2FFFF;
	_ =	strace $0x9FFFFFFF  }
0xc2: {  	(tm) =	ssettm $0x7FFFFFFF  }
0xc3: {  	_ =	shalt  }
tec
execute0_lowered:
.L_overlay_start_1:
0x0: {  	(tag) =	ssettag $0x1  }
0x1: {  	s1 =	srdreg.scid;
	s2 =	rddreg [dreg:$0x0]  }
0x2: {  	s0 =	stileid.u32;
	s5 =	rddreg [dreg:$0x1]  }
0x3: {  	s3 =	simm.s32 $0x0;
	s10 =	simm.s32 $0x80;
	s11 =	simm.s32 $0x880  }
0x4: {  	s12 =	simm.s32 $0x1080;
	s13 =	simm.s32 $0x1880;
	s14 =	simm.s32 $0x2080  }
0x5: {  	s15 =	simm.s32 $0x2880;
	s16 =	simm.s32 $0x3080;
	s17 =	simm.s32 $0x3880  }
0x6: {  	s18 =	simm.s32 $0x4080;
	s19 =	simm.s32 $0x4880;
	s20 =	simm.s32 $0x5080  }
0x7: {  	s21 =	simm.s32 $0x5880;
	s22 =	simm.s32 $0x6080;
	s23 =	simm.s32 $0x6880  }
0x8: {  	s24 =	simm.s32 $0x7080;
	s25 =	simm.s32 $0x7880;
	s28 =	simm.s32 $0x8880  }
0x9: {  	s29 =	simm.s32 $0x9080;
	s4 =	sand.u32 $0x1, s1;
	s26 =	sshll.u32 s0, $0x1  }
0xa: {  	s30 =	simm.s32 $0x9880;
	s31 =	simm.s32 $0x1;
	s6 =	sor.u32 s4, s26  }
0xb: {  	[smem:$0x7FF] =	sst s3;
	s4 =	ssub.s32 $0x2, s4;
	s7 =	smul.u32 $0x5, s6  }
0xc: {  	_ =	strace $0x80000047;
	s6 =	smul.u32 $0x1400, s6;
	s8 =	sshrl.u32 s4, $0x1  }
0xd: {  	s26 =	simm.s32 $0x8080;
	s8 =	ssub.s32 s4, s8;
	s4 =	sadd.s32 $0x100, s2  }
0xe: {  	v2 =	vlaneseq.u32;
	s7 =	sadd.s32 s7, s5;
	s9 =	sadd.s32 s6, s5;
	s5 =	sadd.s32 $0x200, s2  }
0xf: {  	vm0 =	vmmov $0xffff;
	v1 =	vshrl.u32 v2, $0x3;
	s6 =	sadd.s32 $0x300, s2;
	s8 =	smax.u32 s8, $0x1;
	s7 =	sadd.s32 $0x1400, s7  }
0x10: {  	v0 =	vand.u32 $0x7, v2;
	v2 =	vor.u32 $0x8, v2;
	v1 =	vmul.u32 $0x8, v1;
	[dreg:$0x3] =	wrdreg s7;
	s7 =	sadd.s32 $0x1600, s9;
	s9 =	simm.s32 $0x2  }
.LBB2_1:
0x11: {  	s1 =	rddreg [dreg:$0x3]  }
0x12: {  	[tilespmem:s3], [sflag:$0x2] =	stream.linear.gather [hbm4b:s1+s3], $0x28, $0x38;
	[tilespmem:$0xA080] =	vst v63  }
0x13: {  	_ =	swait.ge [sflag:s9], $0x28  }
0x14: {  	[sflag:s9] =	ssyncset.done $0x0  }
0x15: {  	[sflag:s9] =	ssyncadd.s32 $0xFFFFFFD8  }
0x16: {  	v3 =	vld [tilespmem:$0x0];
	_ =	sdelay $0x4  }
0x17: {  	v4 =	vshll.u32 v3, $0x3  }
0x18: {  	v3 =	vand.u32 $0x7, v3;
	v4 =	vand.u32 $0xFFFFFFC0, v4  }
0x19: {  	v3 =	vor.u32 v3, v4  }
0x1a: {  	v4 =	vperm.xlane v3, v0;
	_ =	sdelay $0x1  }
0x1b: {  	v4 =	vadd.s32 v1, v4;
	_ =	sdelay $0x4  }
0x1c: {  	[tilespmem:s10], [sflag:$0x1] =	stream.indirect_vreg.gather [hbm4b:s2+s3], $0x80, v4, vm0, $0xb8;
	[tilespmem:$0xA080] =	vst v63  }
0x1d: {  	v3 =	vperm.xlane v3, v2  }
0x1e: {  	[tilespmem:s11], [sflag:$0x1] =	stream.indirect_vreg.gather [hbm4b:s4+s3], $0x80, v4, vm0, $0xb8;
	[tilespmem:$0xA080] =	vst v63  }
0x1f: {  	v3 =	vadd.s32 v1, v3  }
0x20: {  	[tilespmem:s12], [sflag:$0x1] =	stream.indirect_vreg.gather [hbm4b:s5+s3], $0x80, v4, vm0, $0xb8;
	[tilespmem:$0xA080] =	vst v63  }
0x21: {  	_ = 	snop  }
0x22: {  	[tilespmem:s13], [sflag:$0x1] =	stream.indirect_vreg.gather [hbm4b:s6+s3], $0x80, v4, vm0, $0xb8;
	[tilespmem:$0xA080] =	vst v63  }
0x23: {  	_ = 	snop  }
0x24: {  	[tilespmem:s14], [sflag:$0x1] =	stream.indirect_vreg.gather [hbm4b:s2+s3], $0x80, v3, vm0, $0xb8;
	[tilespmem:$0xA080] =	vst v63  }
0x25: {  	_ = 	snop  }
0x26: {  	[tilespmem:s15], [sflag:$0x1] =	stream.indirect_vreg.gather [hbm4b:s4+s3], $0x80, v3, vm0, $0xb8;
	[tilespmem:$0xA080] =	vst v63  }
0x27: {  	_ = 	snop  }
0x28: {  	[tilespmem:s16], [sflag:$0x1] =	stream.indirect_vreg.gather [hbm4b:s5+s3], $0x80, v3, vm0, $0xb8;
	[tilespmem:$0xA080] =	vst v63  }
0x29: {  	_ = 	snop  }
0x2a: {  	[tilespmem:s17], [sflag:$0x1] =	stream.indirect_vreg.gather [hbm4b:s6+s3], $0x80, v3, vm0, $0xb8;
	[tilespmem:$0xA080] =	vst v63  }
0x2b: {  	v3 =	vld [tilespmem:$0x10];
	_ =	sdelay $0x4  }
0x2c: {  	v62 =	vshll.u32 v3, $0x3  }
0x2d: {  	v3 =	vand.u32 $0x7, v3;
	v4 =	vand.u32 $0xFFFFFFC0, v62  }
0x2e: {  	v3 =	vor.u32 v3, v4  }
0x2f: {  	v4 =	vperm.xlane v3, v0;
	_ =	sdelay $0x1  }
0x30: {  	v4 =	vadd.s32 v1, v4;
	_ =	sdelay $0x4  }
0x31: {  	[tilespmem:s18], [sflag:$0x1] =	stream.indirect_vreg.gather [hbm4b:s2+s3], $0x80, v4, vm0, $0xb8;
	[tilespmem:$0xA080] =	vst v63  }
0x32: {  	v3 =	vperm.xlane v3, v2  }
0x33: {  	[tilespmem:s19], [sflag:$0x1] =	stream.indirect_vreg.gather [hbm4b:s4+s3], $0x80, v4, vm0, $0xb8;
	[tilespmem:$0xA080] =	vst v63  }
0x34: {  	v3 =	vadd.s32 v1, v3  }
0x35: {  	[tilespmem:s20], [sflag:$0x1] =	stream.indirect_vreg.gather [hbm4b:s5+s3], $0x80, v4, vm0, $0xb8;
	[tilespmem:$0xA080] =	vst v63  }
0x36: {  	_ = 	snop  }
0x37: {  	[tilespmem:s21], [sflag:$0x1] =	stream.indirect_vreg.gather [hbm4b:s6+s3], $0x80, v4, vm0, $0xb8;
	[tilespmem:$0xA080] =	vst v63  }
0x38: {  	_ = 	snop  }
0x39: {  	[tilespmem:s22], [sflag:$0x1] =	stream.indirect_vreg.gather [hbm4b:s2+s3], $0x80, v3, vm0, $0xb8;
	[tilespmem:$0xA080] =	vst v63  }
0x3a: {  	_ = 	snop  }
0x3b: {  	[tilespmem:s23], [sflag:$0x1] =	stream.indirect_vreg.gather [hbm4b:s4+s3], $0x80, v3, vm0, $0xb8;
	[tilespmem:$0xA080] =	vst v63  }
0x3c: {  	_ = 	snop  }
0x3d: {  	[tilespmem:s24], [sflag:$0x1] =	stream.indirect_vreg.gather [hbm4b:s5+s3], $0x80, v3, vm0, $0xb8;
	[tilespmem:$0xA080] =	vst v63  }
0x3e: {  	_ = 	snop  }
0x3f: {  	[tilespmem:s25], [sflag:$0x1] =	stream.indirect_vreg.gather [hbm4b:s6+s3], $0x80, v3, vm0, $0xb8;
	[tilespmem:$0xA080] =	vst v63  }
0x40: {  	v3 =	vld.msk [tilespmem:$0x20], $0xff;
	_ =	sdelay $0x4  }
0x41: {  	v63 =	vshll.u32 v3, $0x3  }
0x42: {  	v3 =	vand.u32 $0x7, v3;
	v4 =	vand.u32 $0xFFFFFFC0, v63  }
0x43: {  	v3 =	vor.u32 v3, v4  }
0x44: {  	v3 =	vperm.xlane v3, v0;
	_ =	sdelay $0x1  }
0x45: {  	v3 =	vadd.s32 v1, v3;
	_ =	sdelay $0x4  }
0x46: {  	[tilespmem:s26], [sflag:$0x1] =	stream.indirect_vreg.gather [hbm4b:s2+s3], $0x80, v3, vm0, $0xb8;
	[tilespmem:$0xA080] =	vst v63  }
0x47: {  	_ = 	snop  }
0x48: {  	[tilespmem:s28], [sflag:$0x1] =	stream.indirect_vreg.gather [hbm4b:s4+s3], $0x80, v3, vm0, $0xb8;
	[tilespmem:$0xA080] =	vst v63  }
0x49: {  	_ = 	snop  }
0x4a: {  	[tilespmem:s29], [sflag:$0x1] =	stream.indirect_vreg.gather [hbm4b:s5+s3], $0x80, v3, vm0, $0xb8;
	[tilespmem:$0xA080] =	vst v63  }
0x4b: {  	_ = 	snop  }
0x4c: {  	[tilespmem:s30], [sflag:$0x1] =	stream.indirect_vreg.gather [hbm4b:s6+s3], $0x80, v3, vm0, $0xb8;
	[tilespmem:$0xA080] =	vst v63  }
0x4d: {  	_ =	swait.ge [sflag:s31], $0xA000  }
0x4e: {  	p0 =	sne.s32 s8, $0x1;
	[sflag:s31] =	ssyncset.done $0x0  }
.Ltmp0:
0x4f: {  	[sflag:s31] =	ssyncadd.s32 $0xFFFF6000;
	(pc) =	sbr.rel @p0 .LBB2_1-.Ltmp0, $4  }
0x50: {  	[hbm4b:s7+s3] =	stream.linear.scatter [tilespmem:s10], [sflag:$0x2], $0xA000, $0x38;
	[tilespmem:$0xA080] =	vst v63  }
0x51: {  	_ =	swait.ge [sflag:s9], $0xA000  }
0x52: {  	[sflag:s9] =	ssyncset.done $0x0  }
0x53: {  	s8 =	sadd.s32 $0xFFFFFFFF, s8;
	[sflag:s9] =	ssyncadd.s32 $0xFFFF6000  }
0x54: {  	_ =	sfence.sel $0x180000  }
0x55: {  	[bflag:$0x0] =	sbarrier.arrive $0xFFFF  }
0x56: {  	_ =	strace $0x90000047  }
0x57: {  	[bflag:$0x2] =	sbarrier.arrive $0xFFFF  }
0x58: {  	p0 =	sne.s32 s0, $0x0;
	s0 =	rddreg [dreg:$0x2]  }
0x59: {  	s0 =	sadd.s32 @!p0 $0x100000, s0  }
0x5a: {  	[sflag:s0] =	ssyncadd.tile.s32 @!p0 $0x1;
	_ =	shalt  }
.Lfunc_end2:
_tile_overlayer_lowered:
.L_overlay_start_2:
0x5b: {  	(tag) =	ssettag $0x2  }
0x5c: {  	s0 =	rddreg [dreg:$0x0];
	s2 =	stileid.u32  }
0x5d: {  	s1 =	rddreg [dreg:$0x1];
	p0 =	sne.s32 s2, $0x0  }
0x5e: {  	s3 =	rddreg [dreg:$0x2];
	[bflag:$0x3] =	sbarrier.arrive $0xFFFF;
	s2 =	simm.s32 @!p0 $0x1C02  }
0x5f: {  	[timem:s3], [sflag:s2] =	dma.local @!p0 [hbm:s0], s1  }
0x60: {  	s0 =	simm.s32 @!p0 $0x2  }
0x61: {  	_ =	swait.ge @!p0 [sflag:s0], s1  }
0x62: {  	s1 =	ssub.s32 @!p0 $0x0, s1;
	[sflag:s0] =	ssyncset.done @!p0 $0x0  }
0x63: {  	[sflag:s0] =	ssyncadd.s32 @!p0 s1  }
0x64: {  	[bflag:$0x3] =	sbarrier.arrive $0xFFFF  }
0x65: {  	_ =	shalt  }

</sc_bundles>
